<compile_context>
chip_gen: v7x
topology: tpu7x:2x2x1
jax: 0.10.2.dev20260603
libtpu: 0.0.44.dev20260713+nightly
codegen_flags: <defaults>
</compile_context>

<pallas_src>
import functools

import jax
import jax.numpy as jnp
from jax import lax
from jax.experimental import pallas as pl
from jax.experimental.pallas import tpu as pltpu
from jax.experimental.pallas import tpu_sc as plsc

B = 16384
F = 26
V = 100000
D = 32
ND = 13
NF = F + ND

NC = 2
NS = 16
NW = NC * NS

RPF = B // 128


def _mm_body(xt_ref, wt_ref, o_ref):
    o_ref[...] = jnp.dot(wt_ref[...], xt_ref[...],
                         preferred_element_type=jnp.float32)


def _dense_proj_t(xt, wt):
    nb = 2048
    return pl.pallas_call(
        _mm_body,
        grid=(B // nb,),
        in_specs=[pl.BlockSpec((ND, nb), lambda i: (0, i)),
                  pl.BlockSpec((ND * D, ND), lambda i: (0, 0))],
        out_specs=pl.BlockSpec((ND * D, nb), lambda i: (0, i)),
        out_shape=jax.ShapeDtypeStruct((ND * D, B), jnp.float32),
    )(xt, wt)


def _sc_body(tbl_hbm, sidx_hbm, dtok_hbm, out_hbm,
             idxv, gbuf, dbuf, isem, gsemA, gsemB, ssem, dlsem, dsem):
    wid = lax.axis_index("s") * NC + lax.axis_index("c")

    def fire_gathers(f, par, gsem):
        goff = par * B
        slab = tbl_hbm.at[f * D + wid]

        def gblk(r8, c):
            for j in range(8):
                r = r8 * 8 + j
                pltpu.async_copy(slab.at[idxv.at[par, r]],
                                 gbuf.at[pl.ds(goff + r * 128, 128)], gsem)
            return c
        lax.fori_loop(0, RPF // 8, gblk, 0)

    def drain_gathers(par, gsem):
        pltpu.make_async_copy(tbl_hbm.at[0].at[pl.ds(0, B)],
                              gbuf.at[pl.ds(par * B, B)], gsem).wait()

    def drain_write(sem):
        pltpu.make_async_copy(gbuf.at[pl.ds(0, B)], out_hbm.at[0], sem).wait()

    def drain_idx():
        pltpu.make_async_copy(sidx_hbm.at[0], idxv.at[0], isem).wait()

    pltpu.sync_copy(sidx_hbm.at[0], idxv.at[0])
    fire_gathers(0, 0, gsemA)
    pltpu.async_copy(sidx_hbm.at[1], idxv.at[1], isem)

    def field_body(f, carry):
        par = lax.rem(f, 2)

        drain_idx()

        @pl.when(f >= 2)
        def _():
            drain_write(ssem)

        @pl.when(par == 0)
        def _():
            fire_gathers(f, 0, gsemA)
            drain_gathers(1, gsemB)

        @pl.when(par == 1)
        def _():
            fire_gathers(f, 1, gsemB)
            drain_gathers(0, gsemA)

        pltpu.async_copy(gbuf.at[pl.ds((1 - par) * B, B)],
                         out_hbm.at[(f - 1) * D + wid], ssem)

        @pl.when(f < F - 1)
        def _():
            pltpu.async_copy(sidx_hbm.at[f + 1], idxv.at[1 - par], isem)

        jd = f - 2

        @pl.when((jd >= 0) & (jd < ND))
        def _():
            @pl.when(jd >= 2)
            def _():
                drain_write(dsem)
            pltpu.async_copy(dtok_hbm.at[jd * D + wid],
                             dbuf.at[pl.ds(lax.rem(jd, 2) * B, B)], dlsem)

            @pl.when(jd >= 1)
            def _():
                drain_write(dlsem)
                pltpu.async_copy(dbuf.at[pl.ds(lax.rem(jd - 1, 2) * B, B)],
                                 out_hbm.at[(F + jd - 1) * D + wid], dsem)
        return carry
    lax.fori_loop(1, F, field_body, 0)

    drain_gathers(1, gsemB)
    pltpu.async_copy(gbuf.at[pl.ds(B, B)], out_hbm.at[(F - 1) * D + wid], ssem)
    drain_write(dlsem)
    pltpu.async_copy(dbuf.at[pl.ds(0, B)],
                     out_hbm.at[(F + ND - 1) * D + wid], dsem)
    drain_write(ssem)
    drain_write(ssem)
    drain_write(dsem)
    drain_write(dsem)


@jax.jit
def _tokenize(sparse_inputs, dense_inputs, tables, w):
    tbl_t = tables.transpose(0, 2, 1).reshape(F * D, V)
    sidx_t = sparse_inputs.T.reshape(F, RPF, 128)
    dtok_t = _dense_proj_t(dense_inputs.T, w.T)

    mesh = plsc.VectorSubcoreMesh(core_axis_name="c", subcore_axis_name="s",
                                  num_cores=NC, num_subcores=NS)
    sc = pl.kernel(
        _sc_body,
        out_type=jax.ShapeDtypeStruct((NF * D, B), jnp.float32),
        mesh=mesh,
        scratch_types=[
            pltpu.VMEM((2, RPF, 128), jnp.int32),
            pltpu.VMEM((2 * B,), jnp.float32),
            pltpu.VMEM((2 * B,), jnp.float32),
            pltpu.SemaphoreType.DMA,
            pltpu.SemaphoreType.DMA,
            pltpu.SemaphoreType.DMA,
            pltpu.SemaphoreType.DMA,
            pltpu.SemaphoreType.DMA,
            pltpu.SemaphoreType.DMA,
        ],
        compiler_params=pltpu.CompilerParams(use_tc_tiling_on_sc=False),
    )
    out = sc(tbl_t, sidx_t, dtok_t)
    return out.reshape(NF, D, B).transpose(2, 0, 1)


def kernel(sparse_inputs, dense_inputs, tables, W):
    return _tokenize(sparse_inputs, dense_inputs, tables, W)

# --- scband reference (transcript-rebuilt; emitter-appended) ---
"""Pipeline reference for scband-criteo-tokenizer-5772436046037 (READ-ONLY COPY).

The authoritative reference and input builder live on the scoring server;
editing this copy changes nothing except your own understanding.
"""

import jax, jax.numpy as jnp
import numpy as np

B = 16384
NUM_FIELDS = 26
VOCAB = 100000
DIM_EMB = 32
NUM_DENSE = 13


def setup_inputs(seed: int = 0) -> dict:
    key = jax.random.key(seed)
    k0, k1, k2, k3 = jax.random.split(key, 4)
    sparse_inputs = jax.random.randint(k0, (B, NUM_FIELDS), 0, VOCAB, dtype=jnp.int64 if jax.config.jax_enable_x64 else jnp.int32).astype(jnp.int32)
    dense_inputs = jax.random.normal(k1, (B, NUM_DENSE), dtype=jnp.float32)
    # 26 embedding tables, all with the same vocab size, stacked into one array
    tables = jax.random.normal(k2, (NUM_FIELDS, VOCAB, DIM_EMB), dtype=jnp.float32) * 0.05
    # Keras Dense kernel: [in_features, out_features] = [13, 13*dim_emb], no bias
    W = jax.random.normal(k3, (NUM_DENSE, NUM_DENSE * DIM_EMB), dtype=jnp.float32) * 0.05
    return {"sparse_inputs": sparse_inputs, "dense_inputs": dense_inputs, "tables": tables, "W": W}


def reference(sparse_inputs, dense_inputs, tables, W):
    # per-field embedding lookup: sparse_outs[i] = tables[i][sparse_inputs[:, i]]
    # vectorized: tables[field_idx, sparse_inputs] -> [B, 26, dim_emb]
    field_idx = jnp.arange(NUM_FIELDS)[None, :]  # [1, 26]
    sparse_tokens = tables[field_idx, sparse_inputs]  # [B, 26, DIM_EMB]
    dense_outs = dense_inputs @ W  # [B, 13*DIM_EMB]
    dense_tokens = dense_outs.reshape(-1, NUM_DENSE, DIM_EMB)  # [B, 13, DIM_EMB]
    return jnp.concatenate([sparse_tokens, dense_tokens], axis=1)  # [B, 39, DIM_EMB]

if __name__ == "__main__":
    import jax
    _d = setup_inputs()
    print(jax.jit(kernel)(*tuple(_d.values())))

</pallas_src>

<mosaic_0001>
#map = affine_map<(d0, d1) -> (0, 0)>
#map1 = affine_map<(d0, d1) -> (0, 0, 0)>
module attributes {stable_mosaic.version = 14 : i64} {
  func.func @_sc_body(%arg0: i32, %arg1: i32, %arg2: memref<832x100000xf32, #tpu.memory_space<hbm>>, %arg3: memref<26x128x128xi32, #tpu.memory_space<hbm>>, %arg4: memref<416x16384xf32, #tpu.memory_space<hbm>>, %arg5: memref<1248x16384xf32, #tpu.memory_space<hbm>>, %arg6: memref<2x128x128xi32, #tpu.memory_space<vmem>>, %arg7: memref<32768xf32, #tpu.memory_space<vmem>>, %arg8: memref<32768xf32, #tpu.memory_space<vmem>>, %arg9: memref<!tpu.dma_semaphore, #tpu.memory_space<semaphore_mem>>, %arg10: memref<!tpu.dma_semaphore, #tpu.memory_space<semaphore_mem>>, %arg11: memref<!tpu.dma_semaphore, #tpu.memory_space<semaphore_mem>>, %arg12: memref<!tpu.dma_semaphore, #tpu.memory_space<semaphore_mem>>, %arg13: memref<!tpu.dma_semaphore, #tpu.memory_space<semaphore_mem>>, %arg14: memref<!tpu.dma_semaphore, #tpu.memory_space<semaphore_mem>>) attributes {dimension_semantics = [#tpu.dimension_semantics<core_parallel>, #tpu.dimension_semantics<subcore_parallel>], iteration_bounds = array<i64: 2, 16>, scalar_prefetch = 0 : i64, scratch_operands = 9 : i64, tpu.core_type = #tpu.core_type<sc_vector_subcore>, window_params = [{transform_indices = #map}, {transform_indices = #map1}, {transform_indices = #map}, {transform_indices = #map}]} {
    %mul3A = arith.constant 2 : i32
    %mul3A_0 = arith.muli %arg1, %mul3A : i32
    %add3A = arith.addi %mul3A_0, %arg0 : i32
    %run_scoped3A = arith.constant 0 : i32
    %run_scoped3A_1 = arith.constant 0 : i32
    "tpu.region"() ({
      %run_scoped3A_125 = tpu.sem_alloc : memref<!tpu.dma_semaphore, #tpu.memory_space<semaphore_mem>>
      %dma_start3A_126 = arith.constant 0 : i32
      %dma_start3A_127 = arith.constant 0 : i32
      %dma_start3A_128 = tpu.memref_slice %arg6[%run_scoped3A_1, %dma_start3A_126, %dma_start3A_127] : memref<2x128x128xi32, #tpu.memory_space<vmem>> -> memref<1x128x128xi32, #tpu.memory_space<vmem>>
      %dma_start3A_129 = tpu.memref_squeeze %dma_start3A_128 : memref<1x128x128xi32, #tpu.memory_space<vmem>> -> memref<128x128xi32, #tpu.memory_space<vmem>>
      %dma_start3A_130 = arith.constant 0 : i32
      %dma_start3A_131 = arith.constant 0 : i32
      %dma_start3A_132 = tpu.memref_slice %arg3[%run_scoped3A, %dma_start3A_130, %dma_start3A_131] : memref<26x128x128xi32, #tpu.memory_space<hbm>> -> memref<1x128x128xi32, #tpu.memory_space<hbm>>
      %dma_start3A_133 = tpu.memref_squeeze %dma_start3A_132 : memref<1x128x128xi32, #tpu.memory_space<hbm>> -> memref<128x128xi32, #tpu.memory_space<hbm>>
      %dma_start3A_134 = arith.constant 0 : i32
      %dma_start3A_135 = arith.constant 0 : i32
      %dma_start3A_136 = tpu.memref_slice %arg6[%run_scoped3A_1, %dma_start3A_134, %dma_start3A_135] : memref<2x128x128xi32, #tpu.memory_space<vmem>> -> memref<1x128x128xi32, #tpu.memory_space<vmem>>
      %dma_start3A_137 = tpu.memref_squeeze %dma_start3A_136 : memref<1x128x128xi32, #tpu.memory_space<vmem>> -> memref<128x128xi32, #tpu.memory_space<vmem>>
      %dma_start3A_138 = arith.constant 0 : i32
      %dma_start3A_139 = arith.constant 0 : i32
      %dma_start3A_140 = tpu.memref_slice %arg3[%run_scoped3A, %dma_start3A_138, %dma_start3A_139] : memref<26x128x128xi32, #tpu.memory_space<hbm>> -> memref<1x128x128xi32, #tpu.memory_space<hbm>>
      %dma_start3A_141 = tpu.memref_squeeze %dma_start3A_140 : memref<1x128x128xi32, #tpu.memory_space<hbm>> -> memref<128x128xi32, #tpu.memory_space<hbm>>
      tpu.enqueue_dma source(%dma_start3A_141 : memref<128x128xi32, #tpu.memory_space<hbm>>) target(%dma_start3A_137 : memref<128x128xi32, #tpu.memory_space<vmem>>) target_semaphore(%run_scoped3A_125 : memref<!tpu.dma_semaphore, #tpu.memory_space<semaphore_mem>>)
      %dma_wait3A_142 = arith.constant 0 : i32
      %dma_wait3A_143 = arith.constant 0 : i32
      %dma_wait3A_144 = tpu.memref_slice %arg6[%run_scoped3A_1, %dma_wait3A_142, %dma_wait3A_143] : memref<2x128x128xi32, #tpu.memory_space<vmem>> -> memref<1x128x128xi32, #tpu.memory_space<vmem>>
      %dma_wait3A_145 = tpu.memref_squeeze %dma_wait3A_144 : memref<1x128x128xi32, #tpu.memory_space<vmem>> -> memref<128x128xi32, #tpu.memory_space<vmem>>
      %dma_wait3A_146 = arith.constant 0 : i32
      %dma_wait3A_147 = arith.constant 0 : i32
      %dma_wait3A_148 = tpu.memref_slice %arg3[%run_scoped3A, %dma_wait3A_146, %dma_wait3A_147] : memref<26x128x128xi32, #tpu.memory_space<hbm>> -> memref<1x128x128xi32, #tpu.memory_space<hbm>>
      %dma_wait3A_149 = tpu.memref_squeeze %dma_wait3A_148 : memref<1x128x128xi32, #tpu.memory_space<hbm>> -> memref<128x128xi32, #tpu.memory_space<hbm>>
      %dma_wait3A_150 = arith.constant 0 : i32
      %dma_wait3A_151 = arith.constant 0 : i32
      %dma_wait3A_152 = tpu.memref_slice %arg6[%run_scoped3A_1, %dma_wait3A_150, %dma_wait3A_151] : memref<2x128x128xi32, #tpu.memory_space<vmem>> -> memref<1x128x128xi32, #tpu.memory_space<vmem>>
      %dma_wait3A_153 = tpu.memref_squeeze %dma_wait3A_152 : memref<1x128x128xi32, #tpu.memory_space<vmem>> -> memref<128x128xi32, #tpu.memory_space<vmem>>
      %dma_wait3A_154 = arith.constant 0 : i32
      %dma_wait3A_155 = arith.constant 0 : i32
      %dma_wait3A_156 = tpu.memref_slice %arg3[%run_scoped3A, %dma_wait3A_154, %dma_wait3A_155] : memref<26x128x128xi32, #tpu.memory_space<hbm>> -> memref<1x128x128xi32, #tpu.memory_space<hbm>>
      %dma_wait3A_157 = tpu.memref_squeeze %dma_wait3A_156 : memref<1x128x128xi32, #tpu.memory_space<hbm>> -> memref<128x128xi32, #tpu.memory_space<hbm>>
      tpu.wait_dma2 semaphore(%run_scoped3A_125 : memref<!tpu.dma_semaphore, #tpu.memory_space<semaphore_mem>>) src(%dma_wait3A_157 : memref<128x128xi32, #tpu.memory_space<hbm>>) dst(%dma_wait3A_153 : memref<128x128xi32, #tpu.memory_space<vmem>>)
      tpu.yield
    }) : () -> ()
    %add3A_2 = arith.constant 0 : i32
    %add3A_3 = arith.addi %add3A_2, %add3A : i32
    %scan3A = arith.constant 0 : i32
    %scan3A_4 = arith.constant 0 : i32
    %scan3A_5 = arith.constant 16 : i32
    %scan3A_6 = arith.addi %scan3A_4, %scan3A_5 : i32
    %scan3A_7 = arith.constant 1 : i32
    scf.for %scan3A_125 = %scan3A_4 to %scan3A_6 step %scan3A_7  : i32 {
      %mul3A_126 = arith.constant 8 : i32
      %mul3A_127 = arith.muli %scan3A_125, %mul3A_126 : i32
      %add3A_128 = arith.constant 0 : i32
      %add3A_129 = arith.addi %mul3A_127, %add3A_128 : i32
      %mul3A_130 = arith.constant 128 : i32
      %mul3A_131 = arith.muli %add3A_129, %mul3A_130 : i32
      %add3A_132 = arith.constant 0 : i32
      %add3A_133 = arith.addi %add3A_132, %mul3A_131 : i32
      %dma_start3A_134 = arith.constant 0 : i32
      %dma_start3A_135 = tpu.memref_slice %arg7[%add3A_133] : memref<32768xf32, #tpu.memory_space<vmem>> -> memref<128xf32, #tpu.memory_space<vmem>>
      %dma_start3A_136 = arith.constant 0 : i32
      %dma_start3A_137 = tpu.memref_slice %arg6[%dma_start3A_134, %add3A_129, %dma_start3A_136] : memref<2x128x128xi32, #tpu.memory_space<vmem>> -> memref<1x1x128xi32, #tpu.memory_space<vmem>>
      %dma_start3A_138 = tpu.memref_squeeze %dma_start3A_137 : memref<1x1x128xi32, #tpu.memory_space<vmem>> -> memref<128xi32, #tpu.memory_space<vmem>>
      %dma_start3A_139 = arith.constant 0 : i32
      %dma_start3A_140 = tpu.memref_slice %arg2[%add3A_3, %dma_start3A_139] : memref<832x100000xf32, #tpu.memory_space<hbm>> -> memref<1x100000xf32, #tpu.memory_space<hbm>>
      %dma_start3A_141 = tpu.memref_squeeze %dma_start3A_140 : memref<1x100000xf32, #tpu.memory_space<hbm>> -> memref<100000xf32, #tpu.memory_space<hbm>>
      %dma_start3A_142 = arith.constant 0 : i32
      %dma_start3A_143 = tpu.memref_slice %dma_start3A_141[%dma_start3A_142] : memref<100000xf32, #tpu.memory_space<hbm>> -> memref<100000xf32, #tpu.memory_space<hbm>>
      tpu.enqueue_indirect_dma source(%dma_start3A_143 : memref<100000xf32, #tpu.memory_space<hbm>>) target(%dma_start3A_135 : memref<128xf32, #tpu.memory_space<vmem>>) offsets(%dma_start3A_138 : memref<128xi32, #tpu.memory_space<vmem>>) semaphore(%arg10 : memref<!tpu.dma_semaphore, #tpu.memory_space<semaphore_mem>>)
      %mul3A_144 = arith.constant 8 : i32
      %mul3A_145 = arith.muli %scan3A_125, %mul3A_144 : i32
      %add3A_146 = arith.constant 1 : i32
      %add3A_147 = arith.addi %mul3A_145, %add3A_146 : i32
      %mul3A_148 = arith.constant 128 : i32
      %mul3A_149 = arith.muli %add3A_147, %mul3A_148 : i32
      %add3A_150 = arith.constant 0 : i32
      %add3A_151 = arith.addi %add3A_150, %mul3A_149 : i32
      %dma_start3A_152 = arith.constant 0 : i32
      %dma_start3A_153 = tpu.memref_slice %arg7[%add3A_151] : memref<32768xf32, #tpu.memory_space<vmem>> -> memref<128xf32, #tpu.memory_space<vmem>>
      %dma_start3A_154 = arith.constant 0 : i32
      %dma_start3A_155 = tpu.memref_slice %arg6[%dma_start3A_152, %add3A_147, %dma_start3A_154] : memref<2x128x128xi32, #tpu.memory_space<vmem>> -> memref<1x1x128xi32, #tpu.memory_space<vmem>>
      %dma_start3A_156 = tpu.memref_squeeze %dma_start3A_155 : memref<1x1x128xi32, #tpu.memory_space<vmem>> -> memref<128xi32, #tpu.memory_space<vmem>>
      %dma_start3A_157 = arith.constant 0 : i32
      %dma_start3A_158 = tpu.memref_slice %arg2[%add3A_3, %dma_start3A_157] : memref<832x100000xf32, #tpu.memory_space<hbm>> -> memref<1x100000xf32, #tpu.memory_space<hbm>>
      %dma_start3A_159 = tpu.memref_squeeze %dma_start3A_158 : memref<1x100000xf32, #tpu.memory_space<hbm>> -> memref<100000xf32, #tpu.memory_space<hbm>>
      %dma_start3A_160 = arith.constant 0 : i32
      %dma_start3A_161 = tpu.memref_slice %dma_start3A_159[%dma_start3A_160] : memref<100000xf32, #tpu.memory_space<hbm>> -> memref<100000xf32, #tpu.memory_space<hbm>>
      tpu.enqueue_indirect_dma source(%dma_start3A_161 : memref<100000xf32, #tpu.memory_space<hbm>>) target(%dma_start3A_153 : memref<128xf32, #tpu.memory_space<vmem>>) offsets(%dma_start3A_156 : memref<128xi32, #tpu.memory_space<vmem>>) semaphore(%arg10 : memref<!tpu.dma_semaphore, #tpu.memory_space<semaphore_mem>>)
      %mul3A_162 = arith.constant 8 : i32
      %mul3A_163 = arith.muli %scan3A_125, %mul3A_162 : i32
      %add3A_164 = arith.constant 2 : i32
      %add3A_165 = arith.addi %mul3A_163, %add3A_164 : i32
      %mul3A_166 = arith.constant 128 : i32
      %mul3A_167 = arith.muli %add3A_165, %mul3A_166 : i32
      %add3A_168 = arith.constant 0 : i32
      %add3A_169 = arith.addi %add3A_168, %mul3A_167 : i32
      %dma_start3A_170 = arith.constant 0 : i32
      %dma_start3A_171 = tpu.memref_slice %arg7[%add3A_169] : memref<32768xf32, #tpu.memory_space<vmem>> -> memref<128xf32, #tpu.memory_space<vmem>>
      %dma_start3A_172 = arith.constant 0 : i32
      %dma_start3A_173 = tpu.memref_slice %arg6[%dma_start3A_170, %add3A_165, %dma_start3A_172] : memref<2x128x128xi32, #tpu.memory_space<vmem>> -> memref<1x1x128xi32, #tpu.memory_space<vmem>>
      %dma_start3A_174 = tpu.memref_squeeze %dma_start3A_173 : memref<1x1x128xi32, #tpu.memory_space<vmem>> -> memref<128xi32, #tpu.memory_space<vmem>>
      %dma_start3A_175 = arith.constant 0 : i32
      %dma_start3A_176 = tpu.memref_slice %arg2[%add3A_3, %dma_start3A_175] : memref<832x100000xf32, #tpu.memory_space<hbm>> -> memref<1x100000xf32, #tpu.memory_space<hbm>>
      %dma_start3A_177 = tpu.memref_squeeze %dma_start3A_176 : memref<1x100000xf32, #tpu.memory_space<hbm>> -> memref<100000xf32, #tpu.memory_space<hbm>>
      %dma_start3A_178 = arith.constant 0 : i32
      %dma_start3A_179 = tpu.memref_slice %dma_start3A_177[%dma_start3A_178] : memref<100000xf32, #tpu.memory_space<hbm>> -> memref<100000xf32, #tpu.memory_space<hbm>>
      tpu.enqueue_indirect_dma source(%dma_start3A_179 : memref<100000xf32, #tpu.memory_space<hbm>>) target(%dma_start3A_171 : memref<128xf32, #tpu.memory_space<vmem>>) offsets(%dma_start3A_174 : memref<128xi32, #tpu.memory_space<vmem>>) semaphore(%arg10 : memref<!tpu.dma_semaphore, #tpu.memory_space<semaphore_mem>>)
      %mul3A_180 = arith.constant 8 : i32
      %mul3A_181 = arith.muli %scan3A_125, %mul3A_180 : i32
      %add3A_182 = arith.constant 3 : i32
      %add3A_183 = arith.addi %mul3A_181, %add3A_182 : i32
      %mul3A_184 = arith.constant 128 : i32
      %mul3A_185 = arith.muli %add3A_183, %mul3A_184 : i32
      %add3A_186 = arith.constant 0 : i32
      %add3A_187 = arith.addi %add3A_186, %mul3A_185 : i32
      %dma_start3A_188 = arith.constant 0 : i32
      %dma_start3A_189 = tpu.memref_slice %arg7[%add3A_187] : memref<32768xf32, #tpu.memory_space<vmem>> -> memref<128xf32, #tpu.memory_space<vmem>>
      %dma_start3A_190 = arith.constant 0 : i32
      %dma_start3A_191 = tpu.memref_slice %arg6[%dma_start3A_188, %add3A_183, %dma_start3A_190] : memref<2x128x128xi32, #tpu.memory_space<vmem>> -> memref<1x1x128xi32, #tpu.memory_space<vmem>>
      %dma_start3A_192 = tpu.memref_squeeze %dma_start3A_191 : memref<1x1x128xi32, #tpu.memory_space<vmem>> -> memref<128xi32, #tpu.memory_space<vmem>>
      %dma_start3A_193 = arith.constant 0 : i32
      %dma_start3A_194 = tpu.memref_slice %arg2[%add3A_3, %dma_start3A_193] : memref<832x100000xf32, #tpu.memory_space<hbm>> -> memref<1x100000xf32, #tpu.memory_space<hbm>>
      %dma_start3A_195 = tpu.memref_squeeze %dma_start3A_194 : memref<1x100000xf32, #tpu.memory_space<hbm>> -> memref<100000xf32, #tpu.memory_space<hbm>>
      %dma_start3A_196 = arith.constant 0 : i32
      %dma_start3A_197 = tpu.memref_slice %dma_start3A_195[%dma_start3A_196] : memref<100000xf32, #tpu.memory_space<hbm>> -> memref<100000xf32, #tpu.memory_space<hbm>>
      tpu.enqueue_indirect_dma source(%dma_start3A_197 : memref<100000xf32, #tpu.memory_space<hbm>>) target(%dma_start3A_189 : memref<128xf32, #tpu.memory_space<vmem>>) offsets(%dma_start3A_192 : memref<128xi32, #tpu.memory_space<vmem>>) semaphore(%arg10 : memref<!tpu.dma_semaphore, #tpu.memory_space<semaphore_mem>>)
      %mul3A_198 = arith.constant 8 : i32
      %mul3A_199 = arith.muli %scan3A_125, %mul3A_198 : i32
      %add3A_200 = arith.constant 4 : i32
      %add3A_201 = arith.addi %mul3A_199, %add3A_200 : i32
      %mul3A_202 = arith.constant 128 : i32
      %mul3A_203 = arith.muli %add3A_201, %mul3A_202 : i32
      %add3A_204 = arith.constant 0 : i32
      %add3A_205 = arith.addi %add3A_204, %mul3A_203 : i32
      %dma_start3A_206 = arith.constant 0 : i32
      %dma_start3A_207 = tpu.memref_slice %arg7[%add3A_205] : memref<32768xf32, #tpu.memory_space<vmem>> -> memref<128xf32, #tpu.memory_space<vmem>>
      %dma_start3A_208 = arith.constant 0 : i32
      %dma_start3A_209 = tpu.memref_slice %arg6[%dma_start3A_206, %add3A_201, %dma_start3A_208] : memref<2x128x128xi32, #tpu.memory_space<vmem>> -> memref<1x1x128xi32, #tpu.memory_space<vmem>>
      %dma_start3A_210 = tpu.memref_squeeze %dma_start3A_209 : memref<1x1x128xi32, #tpu.memory_space<vmem>> -> memref<128xi32, #tpu.memory_space<vmem>>
      %dma_start3A_211 = arith.constant 0 : i32
      %dma_start3A_212 = tpu.memref_slice %arg2[%add3A_3, %dma_start3A_211] : memref<832x100000xf32, #tpu.memory_space<hbm>> -> memref<1x100000xf32, #tpu.memory_space<hbm>>
      %dma_start3A_213 = tpu.memref_squeeze %dma_start3A_212 : memref<1x100000xf32, #tpu.memory_space<hbm>> -> memref<100000xf32, #tpu.memory_space<hbm>>
      %dma_start3A_214 = arith.constant 0 : i32
      %dma_start3A_215 = tpu.memref_slice %dma_start3A_213[%dma_start3A_214] : memref<100000xf32, #tpu.memory_space<hbm>> -> memref<100000xf32, #tpu.memory_space<hbm>>
      tpu.enqueue_indirect_dma source(%dma_start3A_215 : memref<100000xf32, #tpu.memory_space<hbm>>) target(%dma_start3A_207 : memref<128xf32, #tpu.memory_space<vmem>>) offsets(%dma_start3A_210 : memref<128xi32, #tpu.memory_space<vmem>>) semaphore(%arg10 : memref<!tpu.dma_semaphore, #tpu.memory_space<semaphore_mem>>)
      %mul3A_216 = arith.constant 8 : i32
      %mul3A_217 = arith.muli %scan3A_125, %mul3A_216 : i32
      %add3A_218 = arith.constant 5 : i32
      %add3A_219 = arith.addi %mul3A_217, %add3A_218 : i32
      %mul3A_220 = arith.constant 128 : i32
      %mul3A_221 = arith.muli %add3A_219, %mul3A_220 : i32
      %add3A_222 = arith.constant 0 : i32
      %add3A_223 = arith.addi %add3A_222, %mul3A_221 : i32
      %dma_start3A_224 = arith.constant 0 : i32
      %dma_start3A_225 = tpu.memref_slice %arg7[%add3A_223] : memref<32768xf32, #tpu.memory_space<vmem>> -> memref<128xf32, #tpu.memory_space<vmem>>
      %dma_start3A_226 = arith.constant 0 : i32
      %dma_start3A_227 = tpu.memref_slice %arg6[%dma_start3A_224, %add3A_219, %dma_start3A_226] : memref<2x128x128xi32, #tpu.memory_space<vmem>> -> memref<1x1x128xi32, #tpu.memory_space<vmem>>
      %dma_start3A_228 = tpu.memref_squeeze %dma_start3A_227 : memref<1x1x128xi32, #tpu.memory_space<vmem>> -> memref<128xi32, #tpu.memory_space<vmem>>
      %dma_start3A_229 = arith.constant 0 : i32
      %dma_start3A_230 = tpu.memref_slice %arg2[%add3A_3, %dma_start3A_229] : memref<832x100000xf32, #tpu.memory_space<hbm>> -> memref<1x100000xf32, #tpu.memory_space<hbm>>
      %dma_start3A_231 = tpu.memref_squeeze %dma_start3A_230 : memref<1x100000xf32, #tpu.memory_space<hbm>> -> memref<100000xf32, #tpu.memory_space<hbm>>
      %dma_start3A_232 = arith.constant 0 : i32
      %dma_start3A_233 = tpu.memref_slice %dma_start3A_231[%dma_start3A_232] : memref<100000xf32, #tpu.memory_space<hbm>> -> memref<100000xf32, #tpu.memory_space<hbm>>
      tpu.enqueue_indirect_dma source(%dma_start3A_233 : memref<100000xf32, #tpu.memory_space<hbm>>) target(%dma_start3A_225 : memref<128xf32, #tpu.memory_space<vmem>>) offsets(%dma_start3A_228 : memref<128xi32, #tpu.memory_space<vmem>>) semaphore(%arg10 : memref<!tpu.dma_semaphore, #tpu.memory_space<semaphore_mem>>)
      %mul3A_234 = arith.constant 8 : i32
      %mul3A_235 = arith.muli %scan3A_125, %mul3A_234 : i32
      %add3A_236 = arith.constant 6 : i32
      %add3A_237 = arith.addi %mul3A_235, %add3A_236 : i32
      %mul3A_238 = arith.constant 128 : i32
      %mul3A_239 = arith.muli %add3A_237, %mul3A_238 : i32
      %add3A_240 = arith.constant 0 : i32
      %add3A_241 = arith.addi %add3A_240, %mul3A_239 : i32
      %dma_start3A_242 = arith.constant 0 : i32
      %dma_start3A_243 = tpu.memref_slice %arg7[%add3A_241] : memref<32768xf32, #tpu.memory_space<vmem>> -> memref<128xf32, #tpu.memory_space<vmem>>
      %dma_start3A_244 = arith.constant 0 : i32
      %dma_start3A_245 = tpu.memref_slice %arg6[%dma_start3A_242, %add3A_237, %dma_start3A_244] : memref<2x128x128xi32, #tpu.memory_space<vmem>> -> memref<1x1x128xi32, #tpu.memory_space<vmem>>
      %dma_start3A_246 = tpu.memref_squeeze %dma_start3A_245 : memref<1x1x128xi32, #tpu.memory_space<vmem>> -> memref<128xi32, #tpu.memory_space<vmem>>
      %dma_start3A_247 = arith.constant 0 : i32
      %dma_start3A_248 = tpu.memref_slice %arg2[%add3A_3, %dma_start3A_247] : memref<832x100000xf32, #tpu.memory_space<hbm>> -> memref<1x100000xf32, #tpu.memory_space<hbm>>
      %dma_start3A_249 = tpu.memref_squeeze %dma_start3A_248 : memref<1x100000xf32, #tpu.memory_space<hbm>> -> memref<100000xf32, #tpu.memory_space<hbm>>
      %dma_start3A_250 = arith.constant 0 : i32
      %dma_start3A_251 = tpu.memref_slice %dma_start3A_249[%dma_start3A_250] : memref<100000xf32, #tpu.memory_space<hbm>> -> memref<100000xf32, #tpu.memory_space<hbm>>
      tpu.enqueue_indirect_dma source(%dma_start3A_251 : memref<100000xf32, #tpu.memory_space<hbm>>) target(%dma_start3A_243 : memref<128xf32, #tpu.memory_space<vmem>>) offsets(%dma_start3A_246 : memref<128xi32, #tpu.memory_space<vmem>>) semaphore(%arg10 : memref<!tpu.dma_semaphore, #tpu.memory_space<semaphore_mem>>)
      %mul3A_252 = arith.constant 8 : i32
      %mul3A_253 = arith.muli %scan3A_125, %mul3A_252 : i32
      %add3A_254 = arith.constant 7 : i32
      %add3A_255 = arith.addi %mul3A_253, %add3A_254 : i32
      %mul3A_256 = arith.constant 128 : i32
      %mul3A_257 = arith.muli %add3A_255, %mul3A_256 : i32
      %add3A_258 = arith.constant 0 : i32
      %add3A_259 = arith.addi %add3A_258, %mul3A_257 : i32
      %dma_start3A_260 = arith.constant 0 : i32
      %dma_start3A_261 = tpu.memref_slice %arg7[%add3A_259] : memref<32768xf32, #tpu.memory_space<vmem>> -> memref<128xf32, #tpu.memory_space<vmem>>
      %dma_start3A_262 = arith.constant 0 : i32
      %dma_start3A_263 = tpu.memref_slice %arg6[%dma_start3A_260, %add3A_255, %dma_start3A_262] : memref<2x128x128xi32, #tpu.memory_space<vmem>> -> memref<1x1x128xi32, #tpu.memory_space<vmem>>
      %dma_start3A_264 = tpu.memref_squeeze %dma_start3A_263 : memref<1x1x128xi32, #tpu.memory_space<vmem>> -> memref<128xi32, #tpu.memory_space<vmem>>
      %dma_start3A_265 = arith.constant 0 : i32
      %dma_start3A_266 = tpu.memref_slice %arg2[%add3A_3, %dma_start3A_265] : memref<832x100000xf32, #tpu.memory_space<hbm>> -> memref<1x100000xf32, #tpu.memory_space<hbm>>
      %dma_start3A_267 = tpu.memref_squeeze %dma_start3A_266 : memref<1x100000xf32, #tpu.memory_space<hbm>> -> memref<100000xf32, #tpu.memory_space<hbm>>
      %dma_start3A_268 = arith.constant 0 : i32
      %dma_start3A_269 = tpu.memref_slice %dma_start3A_267[%dma_start3A_268] : memref<100000xf32, #tpu.memory_space<hbm>> -> memref<100000xf32, #tpu.memory_space<hbm>>
      tpu.enqueue_indirect_dma source(%dma_start3A_269 : memref<100000xf32, #tpu.memory_space<hbm>>) target(%dma_start3A_261 : memref<128xf32, #tpu.memory_space<vmem>>) offsets(%dma_start3A_264 : memref<128xi32, #tpu.memory_space<vmem>>) semaphore(%arg10 : memref<!tpu.dma_semaphore, #tpu.memory_space<semaphore_mem>>)
    }
    %scan3A_8 = arith.constant 16 : i32
    %dma_start3A = arith.constant 1 : i32
    %dma_start3A_9 = arith.constant 1 : i32
    %dma_start3A_10 = arith.constant 0 : i32
    %dma_start3A_11 = arith.constant 0 : i32
    %dma_start3A_12 = tpu.memref_slice %arg6[%dma_start3A_9, %dma_start3A_10, %dma_start3A_11] : memref<2x128x128xi32, #tpu.memory_space<vmem>> -> memref<1x128x128xi32, #tpu.memory_space<vmem>>
    %dma_start3A_13 = tpu.memref_squeeze %dma_start3A_12 : memref<1x128x128xi32, #tpu.memory_space<vmem>> -> memref<128x128xi32, #tpu.memory_space<vmem>>
    %dma_start3A_14 = arith.constant 0 : i32
    %dma_start3A_15 = arith.constant 0 : i32
    %dma_start3A_16 = tpu.memref_slice %arg3[%dma_start3A, %dma_start3A_14, %dma_start3A_15] : memref<26x128x128xi32, #tpu.memory_space<hbm>> -> memref<1x128x128xi32, #tpu.memory_space<hbm>>
    %dma_start3A_17 = tpu.memref_squeeze %dma_start3A_16 : memref<1x128x128xi32, #tpu.memory_space<hbm>> -> memref<128x128xi32, #tpu.memory_space<hbm>>
    %dma_start3A_18 = arith.constant 0 : i32
    %dma_start3A_19 = arith.constant 0 : i32
    %dma_start3A_20 = tpu.memref_slice %arg6[%dma_start3A_9, %dma_start3A_18, %dma_start3A_19] : memref<2x128x128xi32, #tpu.memory_space<vmem>> -> memref<1x128x128xi32, #tpu.memory_space<vmem>>
    %dma_start3A_21 = tpu.memref_squeeze %dma_start3A_20 : memref<1x128x128xi32, #tpu.memory_space<vmem>> -> memref<128x128xi32, #tpu.memory_space<vmem>>
    %dma_start3A_22 = arith.constant 0 : i32
    %dma_start3A_23 = arith.constant 0 : i32
    %dma_start3A_24 = tpu.memref_slice %arg3[%dma_start3A, %dma_start3A_22, %dma_start3A_23] : memref<26x128x128xi32, #tpu.memory_space<hbm>> -> memref<1x128x128xi32, #tpu.memory_space<hbm>>
    %dma_start3A_25 = tpu.memref_squeeze %dma_start3A_24 : memref<1x128x128xi32, #tpu.memory_space<hbm>> -> memref<128x128xi32, #tpu.memory_space<hbm>>
    tpu.enqueue_dma source(%dma_start3A_25 : memref<128x128xi32, #tpu.memory_space<hbm>>) target(%dma_start3A_21 : memref<128x128xi32, #tpu.memory_space<vmem>>) target_semaphore(%arg9 : memref<!tpu.dma_semaphore, #tpu.memory_space<semaphore_mem>>)
    %scan3A_26 = arith.constant 0 : i32
    %scan3A_27 = arith.constant 1 : i32
    %scan3A_28 = arith.constant 25 : i32
    %scan3A_29 = arith.addi %scan3A_27, %scan3A_28 : i32
    %scan3A_30 = arith.constant 1 : i32
    scf.for %scan3A_125 = %scan3A_27 to %scan3A_29 step %scan3A_30  : i32 {
      %rem3A = arith.constant 2 : i32
      %rem3A_126 = arith.remsi %scan3A_125, %rem3A : i32
      %dma_wait3A_127 = arith.constant 0 : i32
      %dma_wait3A_128 = arith.constant 0 : i32
      %dma_wait3A_129 = arith.constant 0 : i32
      %dma_wait3A_130 = arith.constant 0 : i32
      %dma_wait3A_131 = tpu.memref_slice %arg6[%dma_wait3A_128, %dma_wait3A_129, %dma_wait3A_130] : memref<2x128x128xi32, #tpu.memory_space<vmem>> -> memref<1x128x128xi32, #tpu.memory_space<vmem>>
      %dma_wait3A_132 = tpu.memref_squeeze %dma_wait3A_131 : memref<1x128x128xi32, #tpu.memory_space<vmem>> -> memref<128x128xi32, #tpu.memory_space<vmem>>
      %dma_wait3A_133 = arith.constant 0 : i32
      %dma_wait3A_134 = arith.constant 0 : i32
      %dma_wait3A_135 = tpu.memref_slice %arg3[%dma_wait3A_127, %dma_wait3A_133, %dma_wait3A_134] : memref<26x128x128xi32, #tpu.memory_space<hbm>> -> memref<1x128x128xi32, #tpu.memory_space<hbm>>
      %dma_wait3A_136 = tpu.memref_squeeze %dma_wait3A_135 : memref<1x128x128xi32, #tpu.memory_space<hbm>> -> memref<128x128xi32, #tpu.memory_space<hbm>>
      %dma_wait3A_137 = arith.constant 0 : i32
      %dma_wait3A_138 = arith.constant 0 : i32
      %dma_wait3A_139 = tpu.memref_slice %arg6[%dma_wait3A_128, %dma_wait3A_137, %dma_wait3A_138] : memref<2x128x128xi32, #tpu.memory_space<vmem>> -> memref<1x128x128xi32, #tpu.memory_space<vmem>>
      %dma_wait3A_140 = tpu.memref_squeeze %dma_wait3A_139 : memref<1x128x128xi32, #tpu.memory_space<vmem>> -> memref<128x128xi32, #tpu.memory_space<vmem>>
      %dma_wait3A_141 = arith.constant 0 : i32
      %dma_wait3A_142 = arith.constant 0 : i32
      %dma_wait3A_143 = tpu.memref_slice %arg3[%dma_wait3A_127, %dma_wait3A_141, %dma_wait3A_142] : memref<26x128x128xi32, #tpu.memory_space<hbm>> -> memref<1x128x128xi32, #tpu.memory_space<hbm>>
      %dma_wait3A_144 = tpu.memref_squeeze %dma_wait3A_143 : memref<1x128x128xi32, #tpu.memory_space<hbm>> -> memref<128x128xi32, #tpu.memory_space<hbm>>
      tpu.wait_dma2 semaphore(%arg9 : memref<!tpu.dma_semaphore, #tpu.memory_space<semaphore_mem>>) src(%dma_wait3A_144 : memref<128x128xi32, #tpu.memory_space<hbm>>) dst(%dma_wait3A_140 : memref<128x128xi32, #tpu.memory_space<vmem>>)
      %ge3A = arith.constant 2 : i32
      %ge3A_145 = arith.cmpi sge, %scan3A_125, %ge3A : i32
      %convert_element_type3A = arith.extui %ge3A_145 : i1 to i32
      %cond3A = arith.constant 0 : i32
      %cond3A_146 = arith.cmpi ne, %convert_element_type3A, %cond3A : i32
      scf.if %cond3A_146 {
        %dma_wait3A_185 = arith.constant 0 : i32
        %dma_wait3A_186 = arith.constant 0 : i32
        %dma_wait3A_187 = tpu.memref_slice %arg7[%dma_wait3A_186] : memref<32768xf32, #tpu.memory_space<vmem>> -> memref<16384xf32, #tpu.memory_space<vmem>>
        %dma_wait3A_188 = arith.constant 0 : i32
        %dma_wait3A_189 = tpu.memref_slice %arg5[%dma_wait3A_185, %dma_wait3A_188] : memref<1248x16384xf32, #tpu.memory_space<hbm>> -> memref<1x16384xf32, #tpu.memory_space<hbm>>
        %dma_wait3A_190 = tpu.memref_squeeze %dma_wait3A_189 : memref<1x16384xf32, #tpu.memory_space<hbm>> -> memref<16384xf32, #tpu.memory_space<hbm>>
        %dma_wait3A_191 = arith.constant 0 : i32
        %dma_wait3A_192 = tpu.memref_slice %arg5[%dma_wait3A_185, %dma_wait3A_191] : memref<1248x16384xf32, #tpu.memory_space<hbm>> -> memref<1x16384xf32, #tpu.memory_space<hbm>>
        %dma_wait3A_193 = tpu.memref_squeeze %dma_wait3A_192 : memref<1x16384xf32, #tpu.memory_space<hbm>> -> memref<16384xf32, #tpu.memory_space<hbm>>
        %dma_wait3A_194 = arith.constant 0 : i32
        %dma_wait3A_195 = tpu.memref_slice %arg7[%dma_wait3A_194] : memref<32768xf32, #tpu.memory_space<vmem>> -> memref<16384xf32, #tpu.memory_space<vmem>>
        tpu.wait_dma2 semaphore(%arg12 : memref<!tpu.dma_semaphore, #tpu.memory_space<semaphore_mem>>) src(%dma_wait3A_195 : memref<16384xf32, #tpu.memory_space<vmem>>) dst(%dma_wait3A_193 : memref<16384xf32, #tpu.memory_space<hbm>>)
      } else {
      }
      %eq3A = arith.constant 0 : i32
      %eq3A_147 = arith.cmpi eq, %rem3A_126, %eq3A : i32
      %convert_element_type3A_148 = arith.extui %eq3A_147 : i1 to i32
      %cond3A_149 = arith.constant 0 : i32
      %cond3A_150 = arith.cmpi ne, %convert_element_type3A_148, %cond3A_149 : i32
      scf.if %cond3A_150 {
        %mul3A_185 = arith.constant 32 : i32
        %mul3A_186 = arith.muli %scan3A_125, %mul3A_185 : i32
        %add3A_187 = arith.addi %mul3A_186, %add3A : i32
        %scan3A_188 = arith.constant 0 : i32
        %scan3A_189 = arith.constant 0 : i32
        %scan3A_190 = arith.constant 16 : i32
        %scan3A_191 = arith.addi %scan3A_189, %scan3A_190 : i32
        %scan3A_192 = arith.constant 1 : i32
        scf.for %scan3A_209 = %scan3A_189 to %scan3A_191 step %scan3A_192  : i32 {
          %mul3A_210 = arith.constant 8 : i32
          %mul3A_211 = arith.muli %scan3A_209, %mul3A_210 : i32
          %add3A_212 = arith.constant 0 : i32
          %add3A_213 = arith.addi %mul3A_211, %add3A_212 : i32
          %mul3A_214 = arith.constant 128 : i32
          %mul3A_215 = arith.muli %add3A_213, %mul3A_214 : i32
          %add3A_216 = arith.constant 0 : i32
          %add3A_217 = arith.addi %add3A_216, %mul3A_215 : i32
          %dma_start3A_218 = arith.constant 0 : i32
          %dma_start3A_219 = tpu.memref_slice %arg7[%add3A_217] : memref<32768xf32, #tpu.memory_space<vmem>> -> memref<128xf32, #tpu.memory_space<vmem>>
          %dma_start3A_220 = arith.constant 0 : i32
          %dma_start3A_221 = tpu.memref_slice %arg6[%dma_start3A_218, %add3A_213, %dma_start3A_220] : memref<2x128x128xi32, #tpu.memory_space<vmem>> -> memref<1x1x128xi32, #tpu.memory_space<vmem>>
          %dma_start3A_222 = tpu.memref_squeeze %dma_start3A_221 : memref<1x1x128xi32, #tpu.memory_space<vmem>> -> memref<128xi32, #tpu.memory_space<vmem>>
          %dma_start3A_223 = arith.constant 0 : i32
          %dma_start3A_224 = tpu.memref_slice %arg2[%add3A_187, %dma_start3A_223] : memref<832x100000xf32, #tpu.memory_space<hbm>> -> memref<1x100000xf32, #tpu.memory_space<hbm>>
          %dma_start3A_225 = tpu.memref_squeeze %dma_start3A_224 : memref<1x100000xf32, #tpu.memory_space<hbm>> -> memref<100000xf32, #tpu.memory_space<hbm>>
          %dma_start3A_226 = arith.constant 0 : i32
          %dma_start3A_227 = tpu.memref_slice %dma_start3A_225[%dma_start3A_226] : memref<100000xf32, #tpu.memory_space<hbm>> -> memref<100000xf32, #tpu.memory_space<hbm>>
          tpu.enqueue_indirect_dma source(%dma_start3A_227 : memref<100000xf32, #tpu.memory_space<hbm>>) target(%dma_start3A_219 : memref<128xf32, #tpu.memory_space<vmem>>) offsets(%dma_start3A_222 : memref<128xi32, #tpu.memory_space<vmem>>) semaphore(%arg10 : memref<!tpu.dma_semaphore, #tpu.memory_space<semaphore_mem>>)
          %mul3A_228 = arith.constant 8 : i32
          %mul3A_229 = arith.muli %scan3A_209, %mul3A_228 : i32
          %add3A_230 = arith.constant 1 : i32
          %add3A_231 = arith.addi %mul3A_229, %add3A_230 : i32
          %mul3A_232 = arith.constant 128 : i32
          %mul3A_233 = arith.muli %add3A_231, %mul3A_232 : i32
          %add3A_234 = arith.constant 0 : i32
          %add3A_235 = arith.addi %add3A_234, %mul3A_233 : i32
          %dma_start3A_236 = arith.constant 0 : i32
          %dma_start3A_237 = tpu.memref_slice %arg7[%add3A_235] : memref<32768xf32, #tpu.memory_space<vmem>> -> memref<128xf32, #tpu.memory_space<vmem>>
          %dma_start3A_238 = arith.constant 0 : i32
          %dma_start3A_239 = tpu.memref_slice %arg6[%dma_start3A_236, %add3A_231, %dma_start3A_238] : memref<2x128x128xi32, #tpu.memory_space<vmem>> -> memref<1x1x128xi32, #tpu.memory_space<vmem>>
          %dma_start3A_240 = tpu.memref_squeeze %dma_start3A_239 : memref<1x1x128xi32, #tpu.memory_space<vmem>> -> memref<128xi32, #tpu.memory_space<vmem>>
          %dma_start3A_241 = arith.constant 0 : i32
          %dma_start3A_242 = tpu.memref_slice %arg2[%add3A_187, %dma_start3A_241] : memref<832x100000xf32, #tpu.memory_space<hbm>> -> memref<1x100000xf32, #tpu.memory_space<hbm>>
          %dma_start3A_243 = tpu.memref_squeeze %dma_start3A_242 : memref<1x100000xf32, #tpu.memory_space<hbm>> -> memref<100000xf32, #tpu.memory_space<hbm>>
          %dma_start3A_244 = arith.constant 0 : i32
          %dma_start3A_245 = tpu.memref_slice %dma_start3A_243[%dma_start3A_244] : memref<100000xf32, #tpu.memory_space<hbm>> -> memref<100000xf32, #tpu.memory_space<hbm>>
          tpu.enqueue_indirect_dma source(%dma_start3A_245 : memref<100000xf32, #tpu.memory_space<hbm>>) target(%dma_start3A_237 : memref<128xf32, #tpu.memory_space<vmem>>) offsets(%dma_start3A_240 : memref<128xi32, #tpu.memory_space<vmem>>) semaphore(%arg10 : memref<!tpu.dma_semaphore, #tpu.memory_space<semaphore_mem>>)
          %mul3A_246 = arith.constant 8 : i32
          %mul3A_247 = arith.muli %scan3A_209, %mul3A_246 : i32
          %add3A_248 = arith.constant 2 : i32
          %add3A_249 = arith.addi %mul3A_247, %add3A_248 : i32
          %mul3A_250 = arith.constant 128 : i32
          %mul3A_251 = arith.muli %add3A_249, %mul3A_250 : i32
          %add3A_252 = arith.constant 0 : i32
          %add3A_253 = arith.addi %add3A_252, %mul3A_251 : i32
          %dma_start3A_254 = arith.constant 0 : i32
          %dma_start3A_255 = tpu.memref_slice %arg7[%add3A_253] : memref<32768xf32, #tpu.memory_space<vmem>> -> memref<128xf32, #tpu.memory_space<vmem>>
          %dma_start3A_256 = arith.constant 0 : i32
          %dma_start3A_257 = tpu.memref_slice %arg6[%dma_start3A_254, %add3A_249, %dma_start3A_256] : memref<2x128x128xi32, #tpu.memory_space<vmem>> -> memref<1x1x128xi32, #tpu.memory_space<vmem>>
          %dma_start3A_258 = tpu.memref_squeeze %dma_start3A_257 : memref<1x1x128xi32, #tpu.memory_space<vmem>> -> memref<128xi32, #tpu.memory_space<vmem>>
          %dma_start3A_259 = arith.constant 0 : i32
          %dma_start3A_260 = tpu.memref_slice %arg2[%add3A_187, %dma_start3A_259] : memref<832x100000xf32, #tpu.memory_space<hbm>> -> memref<1x100000xf32, #tpu.memory_space<hbm>>
          %dma_start3A_261 = tpu.memref_squeeze %dma_start3A_260 : memref<1x100000xf32, #tpu.memory_space<hbm>> -> memref<100000xf32, #tpu.memory_space<hbm>>
          %dma_start3A_262 = arith.constant 0 : i32
          %dma_start3A_263 = tpu.memref_slice %dma_start3A_261[%dma_start3A_262] : memref<100000xf32, #tpu.memory_space<hbm>> -> memref<100000xf32, #tpu.memory_space<hbm>>
          tpu.enqueue_indirect_dma source(%dma_start3A_263 : memref<100000xf32, #tpu.memory_space<hbm>>) target(%dma_start3A_255 : memref<128xf32, #tpu.memory_space<vmem>>) offsets(%dma_start3A_258 : memref<128xi32, #tpu.memory_space<vmem>>) semaphore(%arg10 : memref<!tpu.dma_semaphore, #tpu.memory_space<semaphore_mem>>)
          %mul3A_264 = arith.constant 8 : i32
          %mul3A_265 = arith.muli %scan3A_209, %mul3A_264 : i32
          %add3A_266 = arith.constant 3 : i32
          %add3A_267 = arith.addi %mul3A_265, %add3A_266 : i32
          %mul3A_268 = arith.constant 128 : i32
          %mul3A_269 = arith.muli %add3A_267, %mul3A_268 : i32
          %add3A_270 = arith.constant 0 : i32
          %add3A_271 = arith.addi %add3A_270, %mul3A_269 : i32
          %dma_start3A_272 = arith.constant 0 : i32
          %dma_start3A_273 = tpu.memref_slice %arg7[%add3A_271] : memref<32768xf32, #tpu.memory_space<vmem>> -> memref<128xf32, #tpu.memory_space<vmem>>
          %dma_start3A_274 = arith.constant 0 : i32
          %dma_start3A_275 = tpu.memref_slice %arg6[%dma_start3A_272, %add3A_267, %dma_start3A_274] : memref<2x128x128xi32, #tpu.memory_space<vmem>> -> memref<1x1x128xi32, #tpu.memory_space<vmem>>
          %dma_start3A_276 = tpu.memref_squeeze %dma_start3A_275 : memref<1x1x128xi32, #tpu.memory_space<vmem>> -> memref<128xi32, #tpu.memory_space<vmem>>
          %dma_start3A_277 = arith.constant 0 : i32
          %dma_start3A_278 = tpu.memref_slice %arg2[%add3A_187, %dma_start3A_277] : memref<832x100000xf32, #tpu.memory_space<hbm>> -> memref<1x100000xf32, #tpu.memory_space<hbm>>
          %dma_start3A_279 = tpu.memref_squeeze %dma_start3A_278 : memref<1x100000xf32, #tpu.memory_space<hbm>> -> memref<100000xf32, #tpu.memory_space<hbm>>
          %dma_start3A_280 = arith.constant 0 : i32
          %dma_start3A_281 = tpu.memref_slice %dma_start3A_279[%dma_start3A_280] : memref<100000xf32, #tpu.memory_space<hbm>> -> memref<100000xf32, #tpu.memory_space<hbm>>
          tpu.enqueue_indirect_dma source(%dma_start3A_281 : memref<100000xf32, #tpu.memory_space<hbm>>) target(%dma_start3A_273 : memref<128xf32, #tpu.memory_space<vmem>>) offsets(%dma_start3A_276 : memref<128xi32, #tpu.memory_space<vmem>>) semaphore(%arg10 : memref<!tpu.dma_semaphore, #tpu.memory_space<semaphore_mem>>)
          %mul3A_282 = arith.constant 8 : i32
          %mul3A_283 = arith.muli %scan3A_209, %mul3A_282 : i32
          %add3A_284 = arith.constant 4 : i32
          %add3A_285 = arith.addi %mul3A_283, %add3A_284 : i32
          %mul3A_286 = arith.constant 128 : i32
          %mul3A_287 = arith.muli %add3A_285, %mul3A_286 : i32
          %add3A_288 = arith.constant 0 : i32
          %add3A_289 = arith.addi %add3A_288, %mul3A_287 : i32
          %dma_start3A_290 = arith.constant 0 : i32
          %dma_start3A_291 = tpu.memref_slice %arg7[%add3A_289] : memref<32768xf32, #tpu.memory_space<vmem>> -> memref<128xf32, #tpu.memory_space<vmem>>
          %dma_start3A_292 = arith.constant 0 : i32
          %dma_start3A_293 = tpu.memref_slice %arg6[%dma_start3A_290, %add3A_285, %dma_start3A_292] : memref<2x128x128xi32, #tpu.memory_space<vmem>> -> memref<1x1x128xi32, #tpu.memory_space<vmem>>
          %dma_start3A_294 = tpu.memref_squeeze %dma_start3A_293 : memref<1x1x128xi32, #tpu.memory_space<vmem>> -> memref<128xi32, #tpu.memory_space<vmem>>
          %dma_start3A_295 = arith.constant 0 : i32
          %dma_start3A_296 = tpu.memref_slice %arg2[%add3A_187, %dma_start3A_295] : memref<832x100000xf32, #tpu.memory_space<hbm>> -> memref<1x100000xf32, #tpu.memory_space<hbm>>
          %dma_start3A_297 = tpu.memref_squeeze %dma_start3A_296 : memref<1x100000xf32, #tpu.memory_space<hbm>> -> memref<100000xf32, #tpu.memory_space<hbm>>
          %dma_start3A_298 = arith.constant 0 : i32
          %dma_start3A_299 = tpu.memref_slice %dma_start3A_297[%dma_start3A_298] : memref<100000xf32, #tpu.memory_space<hbm>> -> memref<100000xf32, #tpu.memory_space<hbm>>
          tpu.enqueue_indirect_dma source(%dma_start3A_299 : memref<100000xf32, #tpu.memory_space<hbm>>) target(%dma_start3A_291 : memref<128xf32, #tpu.memory_space<vmem>>) offsets(%dma_start3A_294 : memref<128xi32, #tpu.memory_space<vmem>>) semaphore(%arg10 : memref<!tpu.dma_semaphore, #tpu.memory_space<semaphore_mem>>)
          %mul3A_300 = arith.constant 8 : i32
          %mul3A_301 = arith.muli %scan3A_209, %mul3A_300 : i32
          %add3A_302 = arith.constant 5 : i32
          %add3A_303 = arith.addi %mul3A_301, %add3A_302 : i32
          %mul3A_304 = arith.constant 128 : i32
          %mul3A_305 = arith.muli %add3A_303, %mul3A_304 : i32
          %add3A_306 = arith.constant 0 : i32
          %add3A_307 = arith.addi %add3A_306, %mul3A_305 : i32
          %dma_start3A_308 = arith.constant 0 : i32
          %dma_start3A_309 = tpu.memref_slice %arg7[%add3A_307] : memref<32768xf32, #tpu.memory_space<vmem>> -> memref<128xf32, #tpu.memory_space<vmem>>
          %dma_start3A_310 = arith.constant 0 : i32
          %dma_start3A_311 = tpu.memref_slice %arg6[%dma_start3A_308, %add3A_303, %dma_start3A_310] : memref<2x128x128xi32, #tpu.memory_space<vmem>> -> memref<1x1x128xi32, #tpu.memory_space<vmem>>
          %dma_start3A_312 = tpu.memref_squeeze %dma_start3A_311 : memref<1x1x128xi32, #tpu.memory_space<vmem>> -> memref<128xi32, #tpu.memory_space<vmem>>
          %dma_start3A_313 = arith.constant 0 : i32
          %dma_start3A_314 = tpu.memref_slice %arg2[%add3A_187, %dma_start3A_313] : memref<832x100000xf32, #tpu.memory_space<hbm>> -> memref<1x100000xf32, #tpu.memory_space<hbm>>
          %dma_start3A_315 = tpu.memref_squeeze %dma_start3A_314 : memref<1x100000xf32, #tpu.memory_space<hbm>> -> memref<100000xf32, #tpu.memory_space<hbm>>
          %dma_start3A_316 = arith.constant 0 : i32
          %dma_start3A_317 = tpu.memref_slice %dma_start3A_315[%dma_start3A_316] : memref<100000xf32, #tpu.memory_space<hbm>> -> memref<100000xf32, #tpu.memory_space<hbm>>
          tpu.enqueue_indirect_dma source(%dma_start3A_317 : memref<100000xf32, #tpu.memory_space<hbm>>) target(%dma_start3A_309 : memref<128xf32, #tpu.memory_space<vmem>>) offsets(%dma_start3A_312 : memref<128xi32, #tpu.memory_space<vmem>>) semaphore(%arg10 : memref<!tpu.dma_semaphore, #tpu.memory_space<semaphore_mem>>)
          %mul3A_318 = arith.constant 8 : i32
          %mul3A_319 = arith.muli %scan3A_209, %mul3A_318 : i32
          %add3A_320 = arith.constant 6 : i32
          %add3A_321 = arith.addi %mul3A_319, %add3A_320 : i32
          %mul3A_322 = arith.constant 128 : i32
          %mul3A_323 = arith.muli %add3A_321, %mul3A_322 : i32
          %add3A_324 = arith.constant 0 : i32
          %add3A_325 = arith.addi %add3A_324, %mul3A_323 : i32
          %dma_start3A_326 = arith.constant 0 : i32
          %dma_start3A_327 = tpu.memref_slice %arg7[%add3A_325] : memref<32768xf32, #tpu.memory_space<vmem>> -> memref<128xf32, #tpu.memory_space<vmem>>
          %dma_start3A_328 = arith.constant 0 : i32
          %dma_start3A_329 = tpu.memref_slice %arg6[%dma_start3A_326, %add3A_321, %dma_start3A_328] : memref<2x128x128xi32, #tpu.memory_space<vmem>> -> memref<1x1x128xi32, #tpu.memory_space<vmem>>
          %dma_start3A_330 = tpu.memref_squeeze %dma_start3A_329 : memref<1x1x128xi32, #tpu.memory_space<vmem>> -> memref<128xi32, #tpu.memory_space<vmem>>
          %dma_start3A_331 = arith.constant 0 : i32
          %dma_start3A_332 = tpu.memref_slice %arg2[%add3A_187, %dma_start3A_331] : memref<832x100000xf32, #tpu.memory_space<hbm>> -> memref<1x100000xf32, #tpu.memory_space<hbm>>
          %dma_start3A_333 = tpu.memref_squeeze %dma_start3A_332 : memref<1x100000xf32, #tpu.memory_space<hbm>> -> memref<100000xf32, #tpu.memory_space<hbm>>
          %dma_start3A_334 = arith.constant 0 : i32
          %dma_start3A_335 = tpu.memref_slice %dma_start3A_333[%dma_start3A_334] : memref<100000xf32, #tpu.memory_space<hbm>> -> memref<100000xf32, #tpu.memory_space<hbm>>
          tpu.enqueue_indirect_dma source(%dma_start3A_335 : memref<100000xf32, #tpu.memory_space<hbm>>) target(%dma_start3A_327 : memref<128xf32, #tpu.memory_space<vmem>>) offsets(%dma_start3A_330 : memref<128xi32, #tpu.memory_space<vmem>>) semaphore(%arg10 : memref<!tpu.dma_semaphore, #tpu.memory_space<semaphore_mem>>)
          %mul3A_336 = arith.constant 8 : i32
          %mul3A_337 = arith.muli %scan3A_209, %mul3A_336 : i32
          %add3A_338 = arith.constant 7 : i32
          %add3A_339 = arith.addi %mul3A_337, %add3A_338 : i32
          %mul3A_340 = arith.constant 128 : i32
          %mul3A_341 = arith.muli %add3A_339, %mul3A_340 : i32
          %add3A_342 = arith.constant 0 : i32
          %add3A_343 = arith.addi %add3A_342, %mul3A_341 : i32
          %dma_start3A_344 = arith.constant 0 : i32
          %dma_start3A_345 = tpu.memref_slice %arg7[%add3A_343] : memref<32768xf32, #tpu.memory_space<vmem>> -> memref<128xf32, #tpu.memory_space<vmem>>
          %dma_start3A_346 = arith.constant 0 : i32
          %dma_start3A_347 = tpu.memref_slice %arg6[%dma_start3A_344, %add3A_339, %dma_start3A_346] : memref<2x128x128xi32, #tpu.memory_space<vmem>> -> memref<1x1x128xi32, #tpu.memory_space<vmem>>
          %dma_start3A_348 = tpu.memref_squeeze %dma_start3A_347 : memref<1x1x128xi32, #tpu.memory_space<vmem>> -> memref<128xi32, #tpu.memory_space<vmem>>
          %dma_start3A_349 = arith.constant 0 : i32
          %dma_start3A_350 = tpu.memref_slice %arg2[%add3A_187, %dma_start3A_349] : memref<832x100000xf32, #tpu.memory_space<hbm>> -> memref<1x100000xf32, #tpu.memory_space<hbm>>
          %dma_start3A_351 = tpu.memref_squeeze %dma_start3A_350 : memref<1x100000xf32, #tpu.memory_space<hbm>> -> memref<100000xf32, #tpu.memory_space<hbm>>
          %dma_start3A_352 = arith.constant 0 : i32
          %dma_start3A_353 = tpu.memref_slice %dma_start3A_351[%dma_start3A_352] : memref<100000xf32, #tpu.memory_space<hbm>> -> memref<100000xf32, #tpu.memory_space<hbm>>
          tpu.enqueue_indirect_dma source(%dma_start3A_353 : memref<100000xf32, #tpu.memory_space<hbm>>) target(%dma_start3A_345 : memref<128xf32, #tpu.memory_space<vmem>>) offsets(%dma_start3A_348 : memref<128xi32, #tpu.memory_space<vmem>>) semaphore(%arg10 : memref<!tpu.dma_semaphore, #tpu.memory_space<semaphore_mem>>)
        }
        %scan3A_193 = arith.constant 16 : i32
        %dma_wait3A_194 = arith.constant 0 : i32
        %dma_wait3A_195 = arith.constant 16384 : i32
        %dma_wait3A_196 = tpu.memref_slice %arg7[%dma_wait3A_195] : memref<32768xf32, #tpu.memory_space<vmem>> -> memref<16384xf32, #tpu.memory_space<vmem>>
        %dma_wait3A_197 = arith.constant 0 : i32
        %dma_wait3A_198 = tpu.memref_slice %arg2[%dma_wait3A_194, %dma_wait3A_197] : memref<832x100000xf32, #tpu.memory_space<hbm>> -> memref<1x100000xf32, #tpu.memory_space<hbm>>
        %dma_wait3A_199 = tpu.memref_squeeze %dma_wait3A_198 : memref<1x100000xf32, #tpu.memory_space<hbm>> -> memref<100000xf32, #tpu.memory_space<hbm>>
        %dma_wait3A_200 = arith.constant 0 : i32
        %dma_wait3A_201 = tpu.memref_slice %dma_wait3A_199[%dma_wait3A_200] : memref<100000xf32, #tpu.memory_space<hbm>> -> memref<16384xf32, #tpu.memory_space<hbm>>
        %dma_wait3A_202 = arith.constant 16384 : i32
        %dma_wait3A_203 = tpu.memref_slice %arg7[%dma_wait3A_202] : memref<32768xf32, #tpu.memory_space<vmem>> -> memref<16384xf32, #tpu.memory_space<vmem>>
        %dma_wait3A_204 = arith.constant 0 : i32
        %dma_wait3A_205 = tpu.memref_slice %arg2[%dma_wait3A_194, %dma_wait3A_204] : memref<832x100000xf32, #tpu.memory_space<hbm>> -> memref<1x100000xf32, #tpu.memory_space<hbm>>
        %dma_wait3A_206 = tpu.memref_squeeze %dma_wait3A_205 : memref<1x100000xf32, #tpu.memory_space<hbm>> -> memref<100000xf32, #tpu.memory_space<hbm>>
        %dma_wait3A_207 = arith.constant 0 : i32
        %dma_wait3A_208 = tpu.memref_slice %dma_wait3A_206[%dma_wait3A_207] : memref<100000xf32, #tpu.memory_space<hbm>> -> memref<16384xf32, #tpu.memory_space<hbm>>
        tpu.wait_dma2 semaphore(%arg11 : memref<!tpu.dma_semaphore, #tpu.memory_space<semaphore_mem>>) src(%dma_wait3A_208 : memref<16384xf32, #tpu.memory_space<hbm>>) dst(%dma_wait3A_203 : memref<16384xf32, #tpu.memory_space<vmem>>)
      } else {
      }
      %eq3A_151 = arith.constant 1 : i32
      %eq3A_152 = arith.cmpi eq, %rem3A_126, %eq3A_151 : i32
      %convert_element_type3A_153 = arith.extui %eq3A_152 : i1 to i32
      %cond3A_154 = arith.constant 0 : i32
      %cond3A_155 = arith.cmpi ne, %convert_element_type3A_153, %cond3A_154 : i32
      scf.if %cond3A_155 {
        %mul3A_185 = arith.constant 32 : i32
        %mul3A_186 = arith.muli %scan3A_125, %mul3A_185 : i32
        %add3A_187 = arith.addi %mul3A_186, %add3A : i32
        %scan3A_188 = arith.constant 0 : i32
        %scan3A_189 = arith.constant 0 : i32
        %scan3A_190 = arith.constant 16 : i32
        %scan3A_191 = arith.addi %scan3A_189, %scan3A_190 : i32
        %scan3A_192 = arith.constant 1 : i32
        scf.for %scan3A_209 = %scan3A_189 to %scan3A_191 step %scan3A_192  : i32 {
          %mul3A_210 = arith.constant 8 : i32
          %mul3A_211 = arith.muli %scan3A_209, %mul3A_210 : i32
          %add3A_212 = arith.constant 0 : i32
          %add3A_213 = arith.addi %mul3A_211, %add3A_212 : i32
          %mul3A_214 = arith.constant 128 : i32
          %mul3A_215 = arith.muli %add3A_213, %mul3A_214 : i32
          %add3A_216 = arith.constant 16384 : i32
          %add3A_217 = arith.addi %add3A_216, %mul3A_215 : i32
          %dma_start3A_218 = arith.constant 1 : i32
          %dma_start3A_219 = tpu.memref_slice %arg7[%add3A_217] : memref<32768xf32, #tpu.memory_space<vmem>> -> memref<128xf32, #tpu.memory_space<vmem>>
          %dma_start3A_220 = arith.constant 0 : i32
          %dma_start3A_221 = tpu.memref_slice %arg6[%dma_start3A_218, %add3A_213, %dma_start3A_220] : memref<2x128x128xi32, #tpu.memory_space<vmem>> -> memref<1x1x128xi32, #tpu.memory_space<vmem>>
          %dma_start3A_222 = tpu.memref_squeeze %dma_start3A_221 : memref<1x1x128xi32, #tpu.memory_space<vmem>> -> memref<128xi32, #tpu.memory_space<vmem>>
          %dma_start3A_223 = arith.constant 0 : i32
          %dma_start3A_224 = tpu.memref_slice %arg2[%add3A_187, %dma_start3A_223] : memref<832x100000xf32, #tpu.memory_space<hbm>> -> memref<1x100000xf32, #tpu.memory_space<hbm>>
          %dma_start3A_225 = tpu.memref_squeeze %dma_start3A_224 : memref<1x100000xf32, #tpu.memory_space<hbm>> -> memref<100000xf32, #tpu.memory_space<hbm>>
          %dma_start3A_226 = arith.constant 0 : i32
          %dma_start3A_227 = tpu.memref_slice %dma_start3A_225[%dma_start3A_226] : memref<100000xf32, #tpu.memory_space<hbm>> -> memref<100000xf32, #tpu.memory_space<hbm>>
          tpu.enqueue_indirect_dma source(%dma_start3A_227 : memref<100000xf32, #tpu.memory_space<hbm>>) target(%dma_start3A_219 : memref<128xf32, #tpu.memory_space<vmem>>) offsets(%dma_start3A_222 : memref<128xi32, #tpu.memory_space<vmem>>) semaphore(%arg11 : memref<!tpu.dma_semaphore, #tpu.memory_space<semaphore_mem>>)
          %mul3A_228 = arith.constant 8 : i32
          %mul3A_229 = arith.muli %scan3A_209, %mul3A_228 : i32
          %add3A_230 = arith.constant 1 : i32
          %add3A_231 = arith.addi %mul3A_229, %add3A_230 : i32
          %mul3A_232 = arith.constant 128 : i32
          %mul3A_233 = arith.muli %add3A_231, %mul3A_232 : i32
          %add3A_234 = arith.constant 16384 : i32
          %add3A_235 = arith.addi %add3A_234, %mul3A_233 : i32
          %dma_start3A_236 = arith.constant 1 : i32
          %dma_start3A_237 = tpu.memref_slice %arg7[%add3A_235] : memref<32768xf32, #tpu.memory_space<vmem>> -> memref<128xf32, #tpu.memory_space<vmem>>
          %dma_start3A_238 = arith.constant 0 : i32
          %dma_start3A_239 = tpu.memref_slice %arg6[%dma_start3A_236, %add3A_231, %dma_start3A_238] : memref<2x128x128xi32, #tpu.memory_space<vmem>> -> memref<1x1x128xi32, #tpu.memory_space<vmem>>
          %dma_start3A_240 = tpu.memref_squeeze %dma_start3A_239 : memref<1x1x128xi32, #tpu.memory_space<vmem>> -> memref<128xi32, #tpu.memory_space<vmem>>
          %dma_start3A_241 = arith.constant 0 : i32
          %dma_start3A_242 = tpu.memref_slice %arg2[%add3A_187, %dma_start3A_241] : memref<832x100000xf32, #tpu.memory_space<hbm>> -> memref<1x100000xf32, #tpu.memory_space<hbm>>
          %dma_start3A_243 = tpu.memref_squeeze %dma_start3A_242 : memref<1x100000xf32, #tpu.memory_space<hbm>> -> memref<100000xf32, #tpu.memory_space<hbm>>
          %dma_start3A_244 = arith.constant 0 : i32
          %dma_start3A_245 = tpu.memref_slice %dma_start3A_243[%dma_start3A_244] : memref<100000xf32, #tpu.memory_space<hbm>> -> memref<100000xf32, #tpu.memory_space<hbm>>
          tpu.enqueue_indirect_dma source(%dma_start3A_245 : memref<100000xf32, #tpu.memory_space<hbm>>) target(%dma_start3A_237 : memref<128xf32, #tpu.memory_space<vmem>>) offsets(%dma_start3A_240 : memref<128xi32, #tpu.memory_space<vmem>>) semaphore(%arg11 : memref<!tpu.dma_semaphore, #tpu.memory_space<semaphore_mem>>)
          %mul3A_246 = arith.constant 8 : i32
          %mul3A_247 = arith.muli %scan3A_209, %mul3A_246 : i32
          %add3A_248 = arith.constant 2 : i32
          %add3A_249 = arith.addi %mul3A_247, %add3A_248 : i32
          %mul3A_250 = arith.constant 128 : i32
          %mul3A_251 = arith.muli %add3A_249, %mul3A_250 : i32
          %add3A_252 = arith.constant 16384 : i32
          %add3A_253 = arith.addi %add3A_252, %mul3A_251 : i32
          %dma_start3A_254 = arith.constant 1 : i32
          %dma_start3A_255 = tpu.memref_slice %arg7[%add3A_253] : memref<32768xf32, #tpu.memory_space<vmem>> -> memref<128xf32, #tpu.memory_space<vmem>>
          %dma_start3A_256 = arith.constant 0 : i32
          %dma_start3A_257 = tpu.memref_slice %arg6[%dma_start3A_254, %add3A_249, %dma_start3A_256] : memref<2x128x128xi32, #tpu.memory_space<vmem>> -> memref<1x1x128xi32, #tpu.memory_space<vmem>>
          %dma_start3A_258 = tpu.memref_squeeze %dma_start3A_257 : memref<1x1x128xi32, #tpu.memory_space<vmem>> -> memref<128xi32, #tpu.memory_space<vmem>>
          %dma_start3A_259 = arith.constant 0 : i32
          %dma_start3A_260 = tpu.memref_slice %arg2[%add3A_187, %dma_start3A_259] : memref<832x100000xf32, #tpu.memory_space<hbm>> -> memref<1x100000xf32, #tpu.memory_space<hbm>>
          %dma_start3A_261 = tpu.memref_squeeze %dma_start3A_260 : memref<1x100000xf32, #tpu.memory_space<hbm>> -> memref<100000xf32, #tpu.memory_space<hbm>>
          %dma_start3A_262 = arith.constant 0 : i32
          %dma_start3A_263 = tpu.memref_slice %dma_start3A_261[%dma_start3A_262] : memref<100000xf32, #tpu.memory_space<hbm>> -> memref<100000xf32, #tpu.memory_space<hbm>>
          tpu.enqueue_indirect_dma source(%dma_start3A_263 : memref<100000xf32, #tpu.memory_space<hbm>>) target(%dma_start3A_255 : memref<128xf32, #tpu.memory_space<vmem>>) offsets(%dma_start3A_258 : memref<128xi32, #tpu.memory_space<vmem>>) semaphore(%arg11 : memref<!tpu.dma_semaphore, #tpu.memory_space<semaphore_mem>>)
          %mul3A_264 = arith.constant 8 : i32
          %mul3A_265 = arith.muli %scan3A_209, %mul3A_264 : i32
          %add3A_266 = arith.constant 3 : i32
          %add3A_267 = arith.addi %mul3A_265, %add3A_266 : i32
          %mul3A_268 = arith.constant 128 : i32
          %mul3A_269 = arith.muli %add3A_267, %mul3A_268 : i32
          %add3A_270 = arith.constant 16384 : i32
          %add3A_271 = arith.addi %add3A_270, %mul3A_269 : i32
          %dma_start3A_272 = arith.constant 1 : i32
          %dma_start3A_273 = tpu.memref_slice %arg7[%add3A_271] : memref<32768xf32, #tpu.memory_space<vmem>> -> memref<128xf32, #tpu.memory_space<vmem>>
          %dma_start3A_274 = arith.constant 0 : i32
          %dma_start3A_275 = tpu.memref_slice %arg6[%dma_start3A_272, %add3A_267, %dma_start3A_274] : memref<2x128x128xi32, #tpu.memory_space<vmem>> -> memref<1x1x128xi32, #tpu.memory_space<vmem>>
          %dma_start3A_276 = tpu.memref_squeeze %dma_start3A_275 : memref<1x1x128xi32, #tpu.memory_space<vmem>> -> memref<128xi32, #tpu.memory_space<vmem>>
          %dma_start3A_277 = arith.constant 0 : i32
          %dma_start3A_278 = tpu.memref_slice %arg2[%add3A_187, %dma_start3A_277] : memref<832x100000xf32, #tpu.memory_space<hbm>> -> memref<1x100000xf32, #tpu.memory_space<hbm>>
          %dma_start3A_279 = tpu.memref_squeeze %dma_start3A_278 : memref<1x100000xf32, #tpu.memory_space<hbm>> -> memref<100000xf32, #tpu.memory_space<hbm>>
          %dma_start3A_280 = arith.constant 0 : i32
          %dma_start3A_281 = tpu.memref_slice %dma_start3A_279[%dma_start3A_280] : memref<100000xf32, #tpu.memory_space<hbm>> -> memref<100000xf32, #tpu.memory_space<hbm>>
          tpu.enqueue_indirect_dma source(%dma_start3A_281 : memref<100000xf32, #tpu.memory_space<hbm>>) target(%dma_start3A_273 : memref<128xf32, #tpu.memory_space<vmem>>) offsets(%dma_start3A_276 : memref<128xi32, #tpu.memory_space<vmem>>) semaphore(%arg11 : memref<!tpu.dma_semaphore, #tpu.memory_space<semaphore_mem>>)
          %mul3A_282 = arith.constant 8 : i32
          %mul3A_283 = arith.muli %scan3A_209, %mul3A_282 : i32
          %add3A_284 = arith.constant 4 : i32
          %add3A_285 = arith.addi %mul3A_283, %add3A_284 : i32
          %mul3A_286 = arith.constant 128 : i32
          %mul3A_287 = arith.muli %add3A_285, %mul3A_286 : i32
          %add3A_288 = arith.constant 16384 : i32
          %add3A_289 = arith.addi %add3A_288, %mul3A_287 : i32
          %dma_start3A_290 = arith.constant 1 : i32
          %dma_start3A_291 = tpu.memref_slice %arg7[%add3A_289] : memref<32768xf32, #tpu.memory_space<vmem>> -> memref<128xf32, #tpu.memory_space<vmem>>
          %dma_start3A_292 = arith.constant 0 : i32
          %dma_start3A_293 = tpu.memref_slice %arg6[%dma_start3A_290, %add3A_285, %dma_start3A_292] : memref<2x128x128xi32, #tpu.memory_space<vmem>> -> memref<1x1x128xi32, #tpu.memory_space<vmem>>
          %dma_start3A_294 = tpu.memref_squeeze %dma_start3A_293 : memref<1x1x128xi32, #tpu.memory_space<vmem>> -> memref<128xi32, #tpu.memory_space<vmem>>
          %dma_start3A_295 = arith.constant 0 : i32
          %dma_start3A_296 = tpu.memref_slice %arg2[%add3A_187, %dma_start3A_295] : memref<832x100000xf32, #tpu.memory_space<hbm>> -> memref<1x100000xf32, #tpu.memory_space<hbm>>
          %dma_start3A_297 = tpu.memref_squeeze %dma_start3A_296 : memref<1x100000xf32, #tpu.memory_space<hbm>> -> memref<100000xf32, #tpu.memory_space<hbm>>
          %dma_start3A_298 = arith.constant 0 : i32
          %dma_start3A_299 = tpu.memref_slice %dma_start3A_297[%dma_start3A_298] : memref<100000xf32, #tpu.memory_space<hbm>> -> memref<100000xf32, #tpu.memory_space<hbm>>
          tpu.enqueue_indirect_dma source(%dma_start3A_299 : memref<100000xf32, #tpu.memory_space<hbm>>) target(%dma_start3A_291 : memref<128xf32, #tpu.memory_space<vmem>>) offsets(%dma_start3A_294 : memref<128xi32, #tpu.memory_space<vmem>>) semaphore(%arg11 : memref<!tpu.dma_semaphore, #tpu.memory_space<semaphore_mem>>)
          %mul3A_300 = arith.constant 8 : i32
          %mul3A_301 = arith.muli %scan3A_209, %mul3A_300 : i32
          %add3A_302 = arith.constant 5 : i32
          %add3A_303 = arith.addi %mul3A_301, %add3A_302 : i32
          %mul3A_304 = arith.constant 128 : i32
          %mul3A_305 = arith.muli %add3A_303, %mul3A_304 : i32
          %add3A_306 = arith.constant 16384 : i32
          %add3A_307 = arith.addi %add3A_306, %mul3A_305 : i32
          %dma_start3A_308 = arith.constant 1 : i32
          %dma_start3A_309 = tpu.memref_slice %arg7[%add3A_307] : memref<32768xf32, #tpu.memory_space<vmem>> -> memref<128xf32, #tpu.memory_space<vmem>>
          %dma_start3A_310 = arith.constant 0 : i32
          %dma_start3A_311 = tpu.memref_slice %arg6[%dma_start3A_308, %add3A_303, %dma_start3A_310] : memref<2x128x128xi32, #tpu.memory_space<vmem>> -> memref<1x1x128xi32, #tpu.memory_space<vmem>>
          %dma_start3A_312 = tpu.memref_squeeze %dma_start3A_311 : memref<1x1x128xi32, #tpu.memory_space<vmem>> -> memref<128xi32, #tpu.memory_space<vmem>>
          %dma_start3A_313 = arith.constant 0 : i32
          %dma_start3A_314 = tpu.memref_slice %arg2[%add3A_187, %dma_start3A_313] : memref<832x100000xf32, #tpu.memory_space<hbm>> -> memref<1x100000xf32, #tpu.memory_space<hbm>>
          %dma_start3A_315 = tpu.memref_squeeze %dma_start3A_314 : memref<1x100000xf32, #tpu.memory_space<hbm>> -> memref<100000xf32, #tpu.memory_space<hbm>>
          %dma_start3A_316 = arith.constant 0 : i32
          %dma_start3A_317 = tpu.memref_slice %dma_start3A_315[%dma_start3A_316] : memref<100000xf32, #tpu.memory_space<hbm>> -> memref<100000xf32, #tpu.memory_space<hbm>>
          tpu.enqueue_indirect_dma source(%dma_start3A_317 : memref<100000xf32, #tpu.memory_space<hbm>>) target(%dma_start3A_309 : memref<128xf32, #tpu.memory_space<vmem>>) offsets(%dma_start3A_312 : memref<128xi32, #tpu.memory_space<vmem>>) semaphore(%arg11 : memref<!tpu.dma_semaphore, #tpu.memory_space<semaphore_mem>>)
          %mul3A_318 = arith.constant 8 : i32
          %mul3A_319 = arith.muli %scan3A_209, %mul3A_318 : i32
          %add3A_320 = arith.constant 6 : i32
          %add3A_321 = arith.addi %mul3A_319, %add3A_320 : i32
          %mul3A_322 = arith.constant 128 : i32
          %mul3A_323 = arith.muli %add3A_321, %mul3A_322 : i32
          %add3A_324 = arith.constant 16384 : i32
          %add3A_325 = arith.addi %add3A_324, %mul3A_323 : i32
          %dma_start3A_326 = arith.constant 1 : i32
          %dma_start3A_327 = tpu.memref_slice %arg7[%add3A_325] : memref<32768xf32, #tpu.memory_space<vmem>> -> memref<128xf32, #tpu.memory_space<vmem>>
          %dma_start3A_328 = arith.constant 0 : i32
          %dma_start3A_329 = tpu.memref_slice %arg6[%dma_start3A_326, %add3A_321, %dma_start3A_328] : memref<2x128x128xi32, #tpu.memory_space<vmem>> -> memref<1x1x128xi32, #tpu.memory_space<vmem>>
          %dma_start3A_330 = tpu.memref_squeeze %dma_start3A_329 : memref<1x1x128xi32, #tpu.memory_space<vmem>> -> memref<128xi32, #tpu.memory_space<vmem>>
          %dma_start3A_331 = arith.constant 0 : i32
          %dma_start3A_332 = tpu.memref_slice %arg2[%add3A_187, %dma_start3A_331] : memref<832x100000xf32, #tpu.memory_space<hbm>> -> memref<1x100000xf32, #tpu.memory_space<hbm>>
          %dma_start3A_333 = tpu.memref_squeeze %dma_start3A_332 : memref<1x100000xf32, #tpu.memory_space<hbm>> -> memref<100000xf32, #tpu.memory_space<hbm>>
          %dma_start3A_334 = arith.constant 0 : i32
          %dma_start3A_335 = tpu.memref_slice %dma_start3A_333[%dma_start3A_334] : memref<100000xf32, #tpu.memory_space<hbm>> -> memref<100000xf32, #tpu.memory_space<hbm>>
          tpu.enqueue_indirect_dma source(%dma_start3A_335 : memref<100000xf32, #tpu.memory_space<hbm>>) target(%dma_start3A_327 : memref<128xf32, #tpu.memory_space<vmem>>) offsets(%dma_start3A_330 : memref<128xi32, #tpu.memory_space<vmem>>) semaphore(%arg11 : memref<!tpu.dma_semaphore, #tpu.memory_space<semaphore_mem>>)
          %mul3A_336 = arith.constant 8 : i32
          %mul3A_337 = arith.muli %scan3A_209, %mul3A_336 : i32
          %add3A_338 = arith.constant 7 : i32
          %add3A_339 = arith.addi %mul3A_337, %add3A_338 : i32
          %mul3A_340 = arith.constant 128 : i32
          %mul3A_341 = arith.muli %add3A_339, %mul3A_340 : i32
          %add3A_342 = arith.constant 16384 : i32
          %add3A_343 = arith.addi %add3A_342, %mul3A_341 : i32
          %dma_start3A_344 = arith.constant 1 : i32
          %dma_start3A_345 = tpu.memref_slice %arg7[%add3A_343] : memref<32768xf32, #tpu.memory_space<vmem>> -> memref<128xf32, #tpu.memory_space<vmem>>
          %dma_start3A_346 = arith.constant 0 : i32
          %dma_start3A_347 = tpu.memref_slice %arg6[%dma_start3A_344, %add3A_339, %dma_start3A_346] : memref<2x128x128xi32, #tpu.memory_space<vmem>> -> memref<1x1x128xi32, #tpu.memory_space<vmem>>
          %dma_start3A_348 = tpu.memref_squeeze %dma_start3A_347 : memref<1x1x128xi32, #tpu.memory_space<vmem>> -> memref<128xi32, #tpu.memory_space<vmem>>
          %dma_start3A_349 = arith.constant 0 : i32
          %dma_start3A_350 = tpu.memref_slice %arg2[%add3A_187, %dma_start3A_349] : memref<832x100000xf32, #tpu.memory_space<hbm>> -> memref<1x100000xf32, #tpu.memory_space<hbm>>
          %dma_start3A_351 = tpu.memref_squeeze %dma_start3A_350 : memref<1x100000xf32, #tpu.memory_space<hbm>> -> memref<100000xf32, #tpu.memory_space<hbm>>
          %dma_start3A_352 = arith.constant 0 : i32
          %dma_start3A_353 = tpu.memref_slice %dma_start3A_351[%dma_start3A_352] : memref<100000xf32, #tpu.memory_space<hbm>> -> memref<100000xf32, #tpu.memory_space<hbm>>
          tpu.enqueue_indirect_dma source(%dma_start3A_353 : memref<100000xf32, #tpu.memory_space<hbm>>) target(%dma_start3A_345 : memref<128xf32, #tpu.memory_space<vmem>>) offsets(%dma_start3A_348 : memref<128xi32, #tpu.memory_space<vmem>>) semaphore(%arg11 : memref<!tpu.dma_semaphore, #tpu.memory_space<semaphore_mem>>)
        }
        %scan3A_193 = arith.constant 16 : i32
        %dma_wait3A_194 = arith.constant 0 : i32
        %dma_wait3A_195 = arith.constant 0 : i32
        %dma_wait3A_196 = tpu.memref_slice %arg7[%dma_wait3A_195] : memref<32768xf32, #tpu.memory_space<vmem>> -> memref<16384xf32, #tpu.memory_space<vmem>>
        %dma_wait3A_197 = arith.constant 0 : i32
        %dma_wait3A_198 = tpu.memref_slice %arg2[%dma_wait3A_194, %dma_wait3A_197] : memref<832x100000xf32, #tpu.memory_space<hbm>> -> memref<1x100000xf32, #tpu.memory_space<hbm>>
        %dma_wait3A_199 = tpu.memref_squeeze %dma_wait3A_198 : memref<1x100000xf32, #tpu.memory_space<hbm>> -> memref<100000xf32, #tpu.memory_space<hbm>>
        %dma_wait3A_200 = arith.constant 0 : i32
        %dma_wait3A_201 = tpu.memref_slice %dma_wait3A_199[%dma_wait3A_200] : memref<100000xf32, #tpu.memory_space<hbm>> -> memref<16384xf32, #tpu.memory_space<hbm>>
        %dma_wait3A_202 = arith.constant 0 : i32
        %dma_wait3A_203 = tpu.memref_slice %arg7[%dma_wait3A_202] : memref<32768xf32, #tpu.memory_space<vmem>> -> memref<16384xf32, #tpu.memory_space<vmem>>
        %dma_wait3A_204 = arith.constant 0 : i32
        %dma_wait3A_205 = tpu.memref_slice %arg2[%dma_wait3A_194, %dma_wait3A_204] : memref<832x100000xf32, #tpu.memory_space<hbm>> -> memref<1x100000xf32, #tpu.memory_space<hbm>>
        %dma_wait3A_206 = tpu.memref_squeeze %dma_wait3A_205 : memref<1x100000xf32, #tpu.memory_space<hbm>> -> memref<100000xf32, #tpu.memory_space<hbm>>
        %dma_wait3A_207 = arith.constant 0 : i32
        %dma_wait3A_208 = tpu.memref_slice %dma_wait3A_206[%dma_wait3A_207] : memref<100000xf32, #tpu.memory_space<hbm>> -> memref<16384xf32, #tpu.memory_space<hbm>>
        tpu.wait_dma2 semaphore(%arg10 : memref<!tpu.dma_semaphore, #tpu.memory_space<semaphore_mem>>) src(%dma_wait3A_208 : memref<16384xf32, #tpu.memory_space<hbm>>) dst(%dma_wait3A_203 : memref<16384xf32, #tpu.memory_space<vmem>>)
      } else {
      }
      %sub3A = arith.constant 1 : i32
      %sub3A_156 = arith.subi %sub3A, %rem3A_126 : i32
      %mul3A_157 = arith.constant 16384 : i32
      %mul3A_158 = arith.muli %sub3A_156, %mul3A_157 : i32
      %sub3A_159 = arith.constant 1 : i32
      %sub3A_160 = arith.subi %scan3A_125, %sub3A_159 : i32
      %mul3A_161 = arith.constant 32 : i32
      %mul3A_162 = arith.muli %sub3A_160, %mul3A_161 : i32
      %add3A_163 = arith.addi %mul3A_162, %add3A : i32
      %dma_start3A_164 = tpu.memref_slice %arg7[%mul3A_158] : memref<32768xf32, #tpu.memory_space<vmem>> -> memref<16384xf32, #tpu.memory_space<vmem>>
      %dma_start3A_165 = arith.constant 0 : i32
      %dma_start3A_166 = tpu.memref_slice %arg5[%add3A_163, %dma_start3A_165] : memref<1248x16384xf32, #tpu.memory_space<hbm>> -> memref<1x16384xf32, #tpu.memory_space<hbm>>
      %dma_start3A_167 = tpu.memref_squeeze %dma_start3A_166 : memref<1x16384xf32, #tpu.memory_space<hbm>> -> memref<16384xf32, #tpu.memory_space<hbm>>
      %dma_start3A_168 = arith.constant 0 : i32
      %dma_start3A_169 = tpu.memref_slice %arg5[%add3A_163, %dma_start3A_168] : memref<1248x16384xf32, #tpu.memory_space<hbm>> -> memref<1x16384xf32, #tpu.memory_space<hbm>>
      %dma_start3A_170 = tpu.memref_squeeze %dma_start3A_169 : memref<1x16384xf32, #tpu.memory_space<hbm>> -> memref<16384xf32, #tpu.memory_space<hbm>>
      %dma_start3A_171 = tpu.memref_slice %arg7[%mul3A_158] : memref<32768xf32, #tpu.memory_space<vmem>> -> memref<16384xf32, #tpu.memory_space<vmem>>
      tpu.enqueue_dma source(%dma_start3A_171 : memref<16384xf32, #tpu.memory_space<vmem>>) target(%dma_start3A_170 : memref<16384xf32, #tpu.memory_space<hbm>>) target_semaphore(%arg12 : memref<!tpu.dma_semaphore, #tpu.memory_space<semaphore_mem>>)
      %lt3A = arith.constant 25 : i32
      %lt3A_172 = arith.cmpi slt, %scan3A_125, %lt3A : i32
      %convert_element_type3A_173 = arith.extui %lt3A_172 : i1 to i32
      %cond3A_174 = arith.constant 0 : i32
      %cond3A_175 = arith.cmpi ne, %convert_element_type3A_173, %cond3A_174 : i32
      scf.if %cond3A_175 {
        %add3A_185 = arith.constant 1 : i32
        %add3A_186 = arith.addi %scan3A_125, %add3A_185 : i32
        %sub3A_187 = arith.constant 1 : i32
        %sub3A_188 = arith.subi %sub3A_187, %rem3A_126 : i32
        %dma_start3A_189 = arith.constant 0 : i32
        %dma_start3A_190 = arith.constant 0 : i32
        %dma_start3A_191 = tpu.memref_slice %arg6[%sub3A_188, %dma_start3A_189, %dma_start3A_190] : memref<2x128x128xi32, #tpu.memory_space<vmem>> -> memref<1x128x128xi32, #tpu.memory_space<vmem>>
        %dma_start3A_192 = tpu.memref_squeeze %dma_start3A_191 : memref<1x128x128xi32, #tpu.memory_space<vmem>> -> memref<128x128xi32, #tpu.memory_space<vmem>>
        %dma_start3A_193 = arith.constant 0 : i32
        %dma_start3A_194 = arith.constant 0 : i32
        %dma_start3A_195 = tpu.memref_slice %arg3[%add3A_186, %dma_start3A_193, %dma_start3A_194] : memref<26x128x128xi32, #tpu.memory_space<hbm>> -> memref<1x128x128xi32, #tpu.memory_space<hbm>>
        %dma_start3A_196 = tpu.memref_squeeze %dma_start3A_195 : memref<1x128x128xi32, #tpu.memory_space<hbm>> -> memref<128x128xi32, #tpu.memory_space<hbm>>
        %dma_start3A_197 = arith.constant 0 : i32
        %dma_start3A_198 = arith.constant 0 : i32
        %dma_start3A_199 = tpu.memref_slice %arg6[%sub3A_188, %dma_start3A_197, %dma_start3A_198] : memref<2x128x128xi32, #tpu.memory_space<vmem>> -> memref<1x128x128xi32, #tpu.memory_space<vmem>>
        %dma_start3A_200 = tpu.memref_squeeze %dma_start3A_199 : memref<1x128x128xi32, #tpu.memory_space<vmem>> -> memref<128x128xi32, #tpu.memory_space<vmem>>
        %dma_start3A_201 = arith.constant 0 : i32
        %dma_start3A_202 = arith.constant 0 : i32
        %dma_start3A_203 = tpu.memref_slice %arg3[%add3A_186, %dma_start3A_201, %dma_start3A_202] : memref<26x128x128xi32, #tpu.memory_space<hbm>> -> memref<1x128x128xi32, #tpu.memory_space<hbm>>
        %dma_start3A_204 = tpu.memref_squeeze %dma_start3A_203 : memref<1x128x128xi32, #tpu.memory_space<hbm>> -> memref<128x128xi32, #tpu.memory_space<hbm>>
        tpu.enqueue_dma source(%dma_start3A_204 : memref<128x128xi32, #tpu.memory_space<hbm>>) target(%dma_start3A_200 : memref<128x128xi32, #tpu.memory_space<vmem>>) target_semaphore(%arg9 : memref<!tpu.dma_semaphore, #tpu.memory_space<semaphore_mem>>)
      } else {
      }
      %sub3A_176 = arith.constant 2 : i32
      %sub3A_177 = arith.subi %scan3A_125, %sub3A_176 : i32
      %ge3A_178 = arith.constant 0 : i32
      %ge3A_179 = arith.cmpi sge, %sub3A_177, %ge3A_178 : i32
      %lt3A_180 = arith.constant 13 : i32
      %lt3A_181 = arith.cmpi slt, %sub3A_177, %lt3A_180 : i32
      %and3A = arith.andi %ge3A_179, %lt3A_181 : i1
      %convert_element_type3A_182 = arith.extui %and3A : i1 to i32
      %cond3A_183 = arith.constant 0 : i32
      %cond3A_184 = arith.cmpi ne, %convert_element_type3A_182, %cond3A_183 : i32
      scf.if %cond3A_184 {
        %ge3A_185 = arith.constant 2 : i32
        %ge3A_186 = arith.cmpi sge, %sub3A_177, %ge3A_185 : i32
        %convert_element_type3A_187 = arith.extui %ge3A_186 : i1 to i32
        %cond3A_188 = arith.constant 0 : i32
        %cond3A_189 = arith.cmpi ne, %convert_element_type3A_187, %cond3A_188 : i32
        scf.if %cond3A_189 {
          %dma_wait3A_210 = arith.constant 0 : i32
          %dma_wait3A_211 = arith.constant 0 : i32
          %dma_wait3A_212 = tpu.memref_slice %arg7[%dma_wait3A_211] : memref<32768xf32, #tpu.memory_space<vmem>> -> memref<16384xf32, #tpu.memory_space<vmem>>
          %dma_wait3A_213 = arith.constant 0 : i32
          %dma_wait3A_214 = tpu.memref_slice %arg5[%dma_wait3A_210, %dma_wait3A_213] : memref<1248x16384xf32, #tpu.memory_space<hbm>> -> memref<1x16384xf32, #tpu.memory_space<hbm>>
          %dma_wait3A_215 = tpu.memref_squeeze %dma_wait3A_214 : memref<1x16384xf32, #tpu.memory_space<hbm>> -> memref<16384xf32, #tpu.memory_space<hbm>>
          %dma_wait3A_216 = arith.constant 0 : i32
          %dma_wait3A_217 = tpu.memref_slice %arg5[%dma_wait3A_210, %dma_wait3A_216] : memref<1248x16384xf32, #tpu.memory_space<hbm>> -> memref<1x16384xf32, #tpu.memory_space<hbm>>
          %dma_wait3A_218 = tpu.memref_squeeze %dma_wait3A_217 : memref<1x16384xf32, #tpu.memory_space<hbm>> -> memref<16384xf32, #tpu.memory_space<hbm>>
          %dma_wait3A_219 = arith.constant 0 : i32
          %dma_wait3A_220 = tpu.memref_slice %arg7[%dma_wait3A_219] : memref<32768xf32, #tpu.memory_space<vmem>> -> memref<16384xf32, #tpu.memory_space<vmem>>
          tpu.wait_dma2 semaphore(%arg14 : memref<!tpu.dma_semaphore, #tpu.memory_space<semaphore_mem>>) src(%dma_wait3A_220 : memref<16384xf32, #tpu.memory_space<vmem>>) dst(%dma_wait3A_218 : memref<16384xf32, #tpu.memory_space<hbm>>)
        } else {
        }
        %mul3A_190 = arith.constant 32 : i32
        %mul3A_191 = arith.muli %sub3A_177, %mul3A_190 : i32
        %add3A_192 = arith.addi %mul3A_191, %add3A : i32
        %rem3A_193 = arith.constant 2 : i32
        %rem3A_194 = arith.remsi %sub3A_177, %rem3A_193 : i32
        %mul3A_195 = arith.constant 16384 : i32
        %mul3A_196 = arith.muli %rem3A_194, %mul3A_195 : i32
        %dma_start3A_197 = tpu.memref_slice %arg8[%mul3A_196] : memref<32768xf32, #tpu.memory_space<vmem>> -> memref<16384xf32, #tpu.memory_space<vmem>>
        %dma_start3A_198 = arith.constant 0 : i32
        %dma_start3A_199 = tpu.memref_slice %arg4[%add3A_192, %dma_start3A_198] : memref<416x16384xf32, #tpu.memory_space<hbm>> -> memref<1x16384xf32, #tpu.memory_space<hbm>>
        %dma_start3A_200 = tpu.memref_squeeze %dma_start3A_199 : memref<1x16384xf32, #tpu.memory_space<hbm>> -> memref<16384xf32, #tpu.memory_space<hbm>>
        %dma_start3A_201 = tpu.memref_slice %arg8[%mul3A_196] : memref<32768xf32, #tpu.memory_space<vmem>> -> memref<16384xf32, #tpu.memory_space<vmem>>
        %dma_start3A_202 = arith.constant 0 : i32
        %dma_start3A_203 = tpu.memref_slice %arg4[%add3A_192, %dma_start3A_202] : memref<416x16384xf32, #tpu.memory_space<hbm>> -> memref<1x16384xf32, #tpu.memory_space<hbm>>
        %dma_start3A_204 = tpu.memref_squeeze %dma_start3A_203 : memref<1x16384xf32, #tpu.memory_space<hbm>> -> memref<16384xf32, #tpu.memory_space<hbm>>
        tpu.enqueue_dma source(%dma_start3A_204 : memref<16384xf32, #tpu.memory_space<hbm>>) target(%dma_start3A_201 : memref<16384xf32, #tpu.memory_space<vmem>>) target_semaphore(%arg13 : memref<!tpu.dma_semaphore, #tpu.memory_space<semaphore_mem>>)
        %ge3A_205 = arith.constant 1 : i32
        %ge3A_206 = arith.cmpi sge, %sub3A_177, %ge3A_205 : i32
        %convert_element_type3A_207 = arith.extui %ge3A_206 : i1 to i32
        %cond3A_208 = arith.constant 0 : i32
        %cond3A_209 = arith.cmpi ne, %convert_element_type3A_207, %cond3A_208 : i32
        scf.if %cond3A_209 {
          %dma_wait3A_210 = arith.constant 0 : i32
          %dma_wait3A_211 = arith.constant 0 : i32
          %dma_wait3A_212 = tpu.memref_slice %arg7[%dma_wait3A_211] : memref<32768xf32, #tpu.memory_space<vmem>> -> memref<16384xf32, #tpu.memory_space<vmem>>
          %dma_wait3A_213 = arith.constant 0 : i32
          %dma_wait3A_214 = tpu.memref_slice %arg5[%dma_wait3A_210, %dma_wait3A_213] : memref<1248x16384xf32, #tpu.memory_space<hbm>> -> memref<1x16384xf32, #tpu.memory_space<hbm>>
          %dma_wait3A_215 = tpu.memref_squeeze %dma_wait3A_214 : memref<1x16384xf32, #tpu.memory_space<hbm>> -> memref<16384xf32, #tpu.memory_space<hbm>>
          %dma_wait3A_216 = arith.constant 0 : i32
          %dma_wait3A_217 = tpu.memref_slice %arg5[%dma_wait3A_210, %dma_wait3A_216] : memref<1248x16384xf32, #tpu.memory_space<hbm>> -> memref<1x16384xf32, #tpu.memory_space<hbm>>
          %dma_wait3A_218 = tpu.memref_squeeze %dma_wait3A_217 : memref<1x16384xf32, #tpu.memory_space<hbm>> -> memref<16384xf32, #tpu.memory_space<hbm>>
          %dma_wait3A_219 = arith.constant 0 : i32
          %dma_wait3A_220 = tpu.memref_slice %arg7[%dma_wait3A_219] : memref<32768xf32, #tpu.memory_space<vmem>> -> memref<16384xf32, #tpu.memory_space<vmem>>
          tpu.wait_dma2 semaphore(%arg13 : memref<!tpu.dma_semaphore, #tpu.memory_space<semaphore_mem>>) src(%dma_wait3A_220 : memref<16384xf32, #tpu.memory_space<vmem>>) dst(%dma_wait3A_218 : memref<16384xf32, #tpu.memory_space<hbm>>)
          %sub3A_221 = arith.constant 1 : i32
          %sub3A_222 = arith.subi %sub3A_177, %sub3A_221 : i32
          %rem3A_223 = arith.constant 2 : i32
          %rem3A_224 = arith.remsi %sub3A_222, %rem3A_223 : i32
          %mul3A_225 = arith.constant 16384 : i32
          %mul3A_226 = arith.muli %rem3A_224, %mul3A_225 : i32
          %add3A_227 = arith.constant 26 : i32
          %add3A_228 = arith.addi %add3A_227, %sub3A_177 : i32
          %sub3A_229 = arith.constant 1 : i32
          %sub3A_230 = arith.subi %add3A_228, %sub3A_229 : i32
          %mul3A_231 = arith.constant 32 : i32
          %mul3A_232 = arith.muli %sub3A_230, %mul3A_231 : i32
          %add3A_233 = arith.addi %mul3A_232, %add3A : i32
          %dma_start3A_234 = tpu.memref_slice %arg8[%mul3A_226] : memref<32768xf32, #tpu.memory_space<vmem>> -> memref<16384xf32, #tpu.memory_space<vmem>>
          %dma_start3A_235 = arith.constant 0 : i32
          %dma_start3A_236 = tpu.memref_slice %arg5[%add3A_233, %dma_start3A_235] : memref<1248x16384xf32, #tpu.memory_space<hbm>> -> memref<1x16384xf32, #tpu.memory_space<hbm>>
          %dma_start3A_237 = tpu.memref_squeeze %dma_start3A_236 : memref<1x16384xf32, #tpu.memory_space<hbm>> -> memref<16384xf32, #tpu.memory_space<hbm>>
          %dma_start3A_238 = arith.constant 0 : i32
          %dma_start3A_239 = tpu.memref_slice %arg5[%add3A_233, %dma_start3A_238] : memref<1248x16384xf32, #tpu.memory_space<hbm>> -> memref<1x16384xf32, #tpu.memory_space<hbm>>
          %dma_start3A_240 = tpu.memref_squeeze %dma_start3A_239 : memref<1x16384xf32, #tpu.memory_space<hbm>> -> memref<16384xf32, #tpu.memory_space<hbm>>
          %dma_start3A_241 = tpu.memref_slice %arg8[%mul3A_226] : memref<32768xf32, #tpu.memory_space<vmem>> -> memref<16384xf32, #tpu.memory_space<vmem>>
          tpu.enqueue_dma source(%dma_start3A_241 : memref<16384xf32, #tpu.memory_space<vmem>>) target(%dma_start3A_240 : memref<16384xf32, #tpu.memory_space<hbm>>) target_semaphore(%arg14 : memref<!tpu.dma_semaphore, #tpu.memory_space<semaphore_mem>>)
        } else {
        }
      } else {
      }
    }
    %scan3A_31 = arith.constant 25 : i32
    %dma_wait3A = arith.constant 0 : i32
    %dma_wait3A_32 = arith.constant 16384 : i32
    %dma_wait3A_33 = tpu.memref_slice %arg7[%dma_wait3A_32] : memref<32768xf32, #tpu.memory_space<vmem>> -> memref<16384xf32, #tpu.memory_space<vmem>>
    %dma_wait3A_34 = arith.constant 0 : i32
    %dma_wait3A_35 = tpu.memref_slice %arg2[%dma_wait3A, %dma_wait3A_34] : memref<832x100000xf32, #tpu.memory_space<hbm>> -> memref<1x100000xf32, #tpu.memory_space<hbm>>
    %dma_wait3A_36 = tpu.memref_squeeze %dma_wait3A_35 : memref<1x100000xf32, #tpu.memory_space<hbm>> -> memref<100000xf32, #tpu.memory_space<hbm>>
    %dma_wait3A_37 = arith.constant 0 : i32
    %dma_wait3A_38 = tpu.memref_slice %dma_wait3A_36[%dma_wait3A_37] : memref<100000xf32, #tpu.memory_space<hbm>> -> memref<16384xf32, #tpu.memory_space<hbm>>
    %dma_wait3A_39 = arith.constant 16384 : i32
    %dma_wait3A_40 = tpu.memref_slice %arg7[%dma_wait3A_39] : memref<32768xf32, #tpu.memory_space<vmem>> -> memref<16384xf32, #tpu.memory_space<vmem>>
    %dma_wait3A_41 = arith.constant 0 : i32
    %dma_wait3A_42 = tpu.memref_slice %arg2[%dma_wait3A, %dma_wait3A_41] : memref<832x100000xf32, #tpu.memory_space<hbm>> -> memref<1x100000xf32, #tpu.memory_space<hbm>>
    %dma_wait3A_43 = tpu.memref_squeeze %dma_wait3A_42 : memref<1x100000xf32, #tpu.memory_space<hbm>> -> memref<100000xf32, #tpu.memory_space<hbm>>
    %dma_wait3A_44 = arith.constant 0 : i32
    %dma_wait3A_45 = tpu.memref_slice %dma_wait3A_43[%dma_wait3A_44] : memref<100000xf32, #tpu.memory_space<hbm>> -> memref<16384xf32, #tpu.memory_space<hbm>>
    tpu.wait_dma2 semaphore(%arg11 : memref<!tpu.dma_semaphore, #tpu.memory_space<semaphore_mem>>) src(%dma_wait3A_45 : memref<16384xf32, #tpu.memory_space<hbm>>) dst(%dma_wait3A_40 : memref<16384xf32, #tpu.memory_space<vmem>>)
    %add3A_46 = arith.constant 800 : i32
    %add3A_47 = arith.addi %add3A_46, %add3A : i32
    %dma_start3A_48 = arith.constant 16384 : i32
    %dma_start3A_49 = tpu.memref_slice %arg7[%dma_start3A_48] : memref<32768xf32, #tpu.memory_space<vmem>> -> memref<16384xf32, #tpu.memory_space<vmem>>
    %dma_start3A_50 = arith.constant 0 : i32
    %dma_start3A_51 = tpu.memref_slice %arg5[%add3A_47, %dma_start3A_50] : memref<1248x16384xf32, #tpu.memory_space<hbm>> -> memref<1x16384xf32, #tpu.memory_space<hbm>>
    %dma_start3A_52 = tpu.memref_squeeze %dma_start3A_51 : memref<1x16384xf32, #tpu.memory_space<hbm>> -> memref<16384xf32, #tpu.memory_space<hbm>>
    %dma_start3A_53 = arith.constant 0 : i32
    %dma_start3A_54 = tpu.memref_slice %arg5[%add3A_47, %dma_start3A_53] : memref<1248x16384xf32, #tpu.memory_space<hbm>> -> memref<1x16384xf32, #tpu.memory_space<hbm>>
    %dma_start3A_55 = tpu.memref_squeeze %dma_start3A_54 : memref<1x16384xf32, #tpu.memory_space<hbm>> -> memref<16384xf32, #tpu.memory_space<hbm>>
    %dma_start3A_56 = arith.constant 16384 : i32
    %dma_start3A_57 = tpu.memref_slice %arg7[%dma_start3A_56] : memref<32768xf32, #tpu.memory_space<vmem>> -> memref<16384xf32, #tpu.memory_space<vmem>>
    tpu.enqueue_dma source(%dma_start3A_57 : memref<16384xf32, #tpu.memory_space<vmem>>) target(%dma_start3A_55 : memref<16384xf32, #tpu.memory_space<hbm>>) target_semaphore(%arg12 : memref<!tpu.dma_semaphore, #tpu.memory_space<semaphore_mem>>)
    %dma_wait3A_58 = arith.constant 0 : i32
    %dma_wait3A_59 = arith.constant 0 : i32
    %dma_wait3A_60 = tpu.memref_slice %arg7[%dma_wait3A_59] : memref<32768xf32, #tpu.memory_space<vmem>> -> memref<16384xf32, #tpu.memory_space<vmem>>
    %dma_wait3A_61 = arith.constant 0 : i32
    %dma_wait3A_62 = tpu.memref_slice %arg5[%dma_wait3A_58, %dma_wait3A_61] : memref<1248x16384xf32, #tpu.memory_space<hbm>> -> memref<1x16384xf32, #tpu.memory_space<hbm>>
    %dma_wait3A_63 = tpu.memref_squeeze %dma_wait3A_62 : memref<1x16384xf32, #tpu.memory_space<hbm>> -> memref<16384xf32, #tpu.memory_space<hbm>>
    %dma_wait3A_64 = arith.constant 0 : i32
    %dma_wait3A_65 = tpu.memref_slice %arg5[%dma_wait3A_58, %dma_wait3A_64] : memref<1248x16384xf32, #tpu.memory_space<hbm>> -> memref<1x16384xf32, #tpu.memory_space<hbm>>
    %dma_wait3A_66 = tpu.memref_squeeze %dma_wait3A_65 : memref<1x16384xf32, #tpu.memory_space<hbm>> -> memref<16384xf32, #tpu.memory_space<hbm>>
    %dma_wait3A_67 = arith.constant 0 : i32
    %dma_wait3A_68 = tpu.memref_slice %arg7[%dma_wait3A_67] : memref<32768xf32, #tpu.memory_space<vmem>> -> memref<16384xf32, #tpu.memory_space<vmem>>
    tpu.wait_dma2 semaphore(%arg13 : memref<!tpu.dma_semaphore, #tpu.memory_space<semaphore_mem>>) src(%dma_wait3A_68 : memref<16384xf32, #tpu.memory_space<vmem>>) dst(%dma_wait3A_66 : memref<16384xf32, #tpu.memory_space<hbm>>)
    %add3A_69 = arith.constant 1216 : i32
    %add3A_70 = arith.addi %add3A_69, %add3A : i32
    %dma_start3A_71 = arith.constant 0 : i32
    %dma_start3A_72 = tpu.memref_slice %arg8[%dma_start3A_71] : memref<32768xf32, #tpu.memory_space<vmem>> -> memref<16384xf32, #tpu.memory_space<vmem>>
    %dma_start3A_73 = arith.constant 0 : i32
    %dma_start3A_74 = tpu.memref_slice %arg5[%add3A_70, %dma_start3A_73] : memref<1248x16384xf32, #tpu.memory_space<hbm>> -> memref<1x16384xf32, #tpu.memory_space<hbm>>
    %dma_start3A_75 = tpu.memref_squeeze %dma_start3A_74 : memref<1x16384xf32, #tpu.memory_space<hbm>> -> memref<16384xf32, #tpu.memory_space<hbm>>
    %dma_start3A_76 = arith.constant 0 : i32
    %dma_start3A_77 = tpu.memref_slice %arg5[%add3A_70, %dma_start3A_76] : memref<1248x16384xf32, #tpu.memory_space<hbm>> -> memref<1x16384xf32, #tpu.memory_space<hbm>>
    %dma_start3A_78 = tpu.memref_squeeze %dma_start3A_77 : memref<1x16384xf32, #tpu.memory_space<hbm>> -> memref<16384xf32, #tpu.memory_space<hbm>>
    %dma_start3A_79 = arith.constant 0 : i32
    %dma_start3A_80 = tpu.memref_slice %arg8[%dma_start3A_79] : memref<32768xf32, #tpu.memory_space<vmem>> -> memref<16384xf32, #tpu.memory_space<vmem>>
    tpu.enqueue_dma source(%dma_start3A_80 : memref<16384xf32, #tpu.memory_space<vmem>>) target(%dma_start3A_78 : memref<16384xf32, #tpu.memory_space<hbm>>) target_semaphore(%arg14 : memref<!tpu.dma_semaphore, #tpu.memory_space<semaphore_mem>>)
    %dma_wait3A_81 = arith.constant 0 : i32
    %dma_wait3A_82 = arith.constant 0 : i32
    %dma_wait3A_83 = tpu.memref_slice %arg7[%dma_wait3A_82] : memref<32768xf32, #tpu.memory_space<vmem>> -> memref<16384xf32, #tpu.memory_space<vmem>>
    %dma_wait3A_84 = arith.constant 0 : i32
    %dma_wait3A_85 = tpu.memref_slice %arg5[%dma_wait3A_81, %dma_wait3A_84] : memref<1248x16384xf32, #tpu.memory_space<hbm>> -> memref<1x16384xf32, #tpu.memory_space<hbm>>
    %dma_wait3A_86 = tpu.memref_squeeze %dma_wait3A_85 : memref<1x16384xf32, #tpu.memory_space<hbm>> -> memref<16384xf32, #tpu.memory_space<hbm>>
    %dma_wait3A_87 = arith.constant 0 : i32
    %dma_wait3A_88 = tpu.memref_slice %arg5[%dma_wait3A_81, %dma_wait3A_87] : memref<1248x16384xf32, #tpu.memory_space<hbm>> -> memref<1x16384xf32, #tpu.memory_space<hbm>>
    %dma_wait3A_89 = tpu.memref_squeeze %dma_wait3A_88 : memref<1x16384xf32, #tpu.memory_space<hbm>> -> memref<16384xf32, #tpu.memory_space<hbm>>
    %dma_wait3A_90 = arith.constant 0 : i32
    %dma_wait3A_91 = tpu.memref_slice %arg7[%dma_wait3A_90] : memref<32768xf32, #tpu.memory_space<vmem>> -> memref<16384xf32, #tpu.memory_space<vmem>>
    tpu.wait_dma2 semaphore(%arg12 : memref<!tpu.dma_semaphore, #tpu.memory_space<semaphore_mem>>) src(%dma_wait3A_91 : memref<16384xf32, #tpu.memory_space<vmem>>) dst(%dma_wait3A_89 : memref<16384xf32, #tpu.memory_space<hbm>>)
    %dma_wait3A_92 = arith.constant 0 : i32
    %dma_wait3A_93 = arith.constant 0 : i32
    %dma_wait3A_94 = tpu.memref_slice %arg7[%dma_wait3A_93] : memref<32768xf32, #tpu.memory_space<vmem>> -> memref<16384xf32, #tpu.memory_space<vmem>>
    %dma_wait3A_95 = arith.constant 0 : i32
    %dma_wait3A_96 = tpu.memref_slice %arg5[%dma_wait3A_92, %dma_wait3A_95] : memref<1248x16384xf32, #tpu.memory_space<hbm>> -> memref<1x16384xf32, #tpu.memory_space<hbm>>
    %dma_wait3A_97 = tpu.memref_squeeze %dma_wait3A_96 : memref<1x16384xf32, #tpu.memory_space<hbm>> -> memref<16384xf32, #tpu.memory_space<hbm>>
    %dma_wait3A_98 = arith.constant 0 : i32
    %dma_wait3A_99 = tpu.memref_slice %arg5[%dma_wait3A_92, %dma_wait3A_98] : memref<1248x16384xf32, #tpu.memory_space<hbm>> -> memref<1x16384xf32, #tpu.memory_space<hbm>>
    %dma_wait3A_100 = tpu.memref_squeeze %dma_wait3A_99 : memref<1x16384xf32, #tpu.memory_space<hbm>> -> memref<16384xf32, #tpu.memory_space<hbm>>
    %dma_wait3A_101 = arith.constant 0 : i32
    %dma_wait3A_102 = tpu.memref_slice %arg7[%dma_wait3A_101] : memref<32768xf32, #tpu.memory_space<vmem>> -> memref<16384xf32, #tpu.memory_space<vmem>>
    tpu.wait_dma2 semaphore(%arg12 : memref<!tpu.dma_semaphore, #tpu.memory_space<semaphore_mem>>) src(%dma_wait3A_102 : memref<16384xf32, #tpu.memory_space<vmem>>) dst(%dma_wait3A_100 : memref<16384xf32, #tpu.memory_space<hbm>>)
    %dma_wait3A_103 = arith.constant 0 : i32
    %dma_wait3A_104 = arith.constant 0 : i32
    %dma_wait3A_105 = tpu.memref_slice %arg7[%dma_wait3A_104] : memref<32768xf32, #tpu.memory_space<vmem>> -> memref<16384xf32, #tpu.memory_space<vmem>>
    %dma_wait3A_106 = arith.constant 0 : i32
    %dma_wait3A_107 = tpu.memref_slice %arg5[%dma_wait3A_103, %dma_wait3A_106] : memref<1248x16384xf32, #tpu.memory_space<hbm>> -> memref<1x16384xf32, #tpu.memory_space<hbm>>
    %dma_wait3A_108 = tpu.memref_squeeze %dma_wait3A_107 : memref<1x16384xf32, #tpu.memory_space<hbm>> -> memref<16384xf32, #tpu.memory_space<hbm>>
    %dma_wait3A_109 = arith.constant 0 : i32
    %dma_wait3A_110 = tpu.memref_slice %arg5[%dma_wait3A_103, %dma_wait3A_109] : memref<1248x16384xf32, #tpu.memory_space<hbm>> -> memref<1x16384xf32, #tpu.memory_space<hbm>>
    %dma_wait3A_111 = tpu.memref_squeeze %dma_wait3A_110 : memref<1x16384xf32, #tpu.memory_space<hbm>> -> memref<16384xf32, #tpu.memory_space<hbm>>
    %dma_wait3A_112 = arith.constant 0 : i32
    %dma_wait3A_113 = tpu.memref_slice %arg7[%dma_wait3A_112] : memref<32768xf32, #tpu.memory_space<vmem>> -> memref<16384xf32, #tpu.memory_space<vmem>>
    tpu.wait_dma2 semaphore(%arg14 : memref<!tpu.dma_semaphore, #tpu.memory_space<semaphore_mem>>) src(%dma_wait3A_113 : memref<16384xf32, #tpu.memory_space<vmem>>) dst(%dma_wait3A_111 : memref<16384xf32, #tpu.memory_space<hbm>>)
    %dma_wait3A_114 = arith.constant 0 : i32
    %dma_wait3A_115 = arith.constant 0 : i32
    %dma_wait3A_116 = tpu.memref_slice %arg7[%dma_wait3A_115] : memref<32768xf32, #tpu.memory_space<vmem>> -> memref<16384xf32, #tpu.memory_space<vmem>>
    %dma_wait3A_117 = arith.constant 0 : i32
    %dma_wait3A_118 = tpu.memref_slice %arg5[%dma_wait3A_114, %dma_wait3A_117] : memref<1248x16384xf32, #tpu.memory_space<hbm>> -> memref<1x16384xf32, #tpu.memory_space<hbm>>
    %dma_wait3A_119 = tpu.memref_squeeze %dma_wait3A_118 : memref<1x16384xf32, #tpu.memory_space<hbm>> -> memref<16384xf32, #tpu.memory_space<hbm>>
    %dma_wait3A_120 = arith.constant 0 : i32
    %dma_wait3A_121 = tpu.memref_slice %arg5[%dma_wait3A_114, %dma_wait3A_120] : memref<1248x16384xf32, #tpu.memory_space<hbm>> -> memref<1x16384xf32, #tpu.memory_space<hbm>>
    %dma_wait3A_122 = tpu.memref_squeeze %dma_wait3A_121 : memref<1x16384xf32, #tpu.memory_space<hbm>> -> memref<16384xf32, #tpu.memory_space<hbm>>
    %dma_wait3A_123 = arith.constant 0 : i32
    %dma_wait3A_124 = tpu.memref_slice %arg7[%dma_wait3A_123] : memref<32768xf32, #tpu.memory_space<vmem>> -> memref<16384xf32, #tpu.memory_space<vmem>>
    tpu.wait_dma2 semaphore(%arg14 : memref<!tpu.dma_semaphore, #tpu.memory_space<semaphore_mem>>) src(%dma_wait3A_124 : memref<16384xf32, #tpu.memory_space<vmem>>) dst(%dma_wait3A_122 : memref<16384xf32, #tpu.memory_space<hbm>>)
    return
  }
}

module attributes {stable_mosaic.version = 14 : i64} {
  func.func @_mm_body(%arg0: i32, %arg1: memref<13x2048xf32, #tpu.memory_space<vmem>>, %arg2: memref<416x13xf32, #tpu.memory_space<vmem>>, %arg3: memref<416x2048xf32, #tpu.memory_space<vmem>>) attributes {dimension_semantics = [#tpu.dimension_semantics<arbitrary>], iteration_bounds = array<i64: 8>, scalar_prefetch = 0 : i64, scratch_operands = 0 : i64, tpu.core_type = #tpu.core_type<tc>, window_params = [{transform_indices = @transform_0, window_bounds = array<i64: 13, 2048>}, {pipeline_mode = #tpu.pipeline_mode<synchronous>, transform_indices = @transform_1, window_bounds = array<i64: 416, 13>}, {transform_indices = @transform_2, window_bounds = array<i64: 416, 2048>}]} {
    %get3A = arith.constant 0 : index
    %get3A_0 = arith.constant 0 : index
    %get3A_1 = vector.load %arg2[%get3A, %get3A_0] : memref<416x13xf32, #tpu.memory_space<vmem>>, vector<416x13xf32>
    %get3A_2 = arith.constant 0 : index
    %get3A_3 = arith.constant 0 : index
    %get3A_4 = vector.load %arg1[%get3A_2, %get3A_3] : memref<13x2048xf32, #tpu.memory_space<vmem>>, vector<13x2048xf32>
    %dot_general3A = arith.constant dense<0.000000e+00> : vector<416x2048xf32>
    %dot_general3A_5 = tpu.matmul %get3A_1, %get3A_4, %dot_general3A {dimension_numbers = #tpu.dot_dimension_numbers<[1], [0], [0], [1], [0, 0, 1, 1], [], []>, transpose_lhs_hint = false} : vector<416x13xf32>, vector<13x2048xf32>, vector<416x2048xf32> -> vector<416x2048xf32>
    %swap3A = arith.constant 0 : index
    %swap3A_6 = arith.constant 0 : index
    %swap3A_7 = vector.load %arg3[%swap3A, %swap3A_6] : memref<416x2048xf32, #tpu.memory_space<vmem>>, vector<416x2048xf32>
    tpu.vector_store %arg3[%swap3A, %swap3A_6], %dot_general3A_5 {strides = array<i32>} : memref<416x2048xf32, #tpu.memory_space<vmem>>, vector<416x2048xf32>,
    return
  }
  func.func @transform_0(%arg0: i32) -> (i32, i32) {
    %c0_i32 = arith.constant 0 : i32
    %c0_i32_0 = arith.constant 0 : i32
    return %c0_i32, %arg0 : i32, i32
  }
  func.func @transform_1(%arg0: i32) -> (i32, i32) {
    %c0_i32 = arith.constant 0 : i32
    %c0_i32_0 = arith.constant 0 : i32
    %c0_i32_1 = arith.constant 0 : i32
    return %c0_i32, %c0_i32_0 : i32, i32
  }
  func.func @transform_2(%arg0: i32) -> (i32, i32) {
    %c0_i32 = arith.constant 0 : i32
    %c0_i32_0 = arith.constant 0 : i32
    return %c0_i32, %arg0 : i32, i32
  }
}

</mosaic_0001>

<sc_bundles>
// kernel: _tokenize.4.cloned.1.call-start
scs
__scs_entry_jumppad:
0x0: {  	(pc) =	sbr.rel $0x88, $3  }
0x1: {  	(tag) =	ssettag $0x0;
	lr =	simm.s32 $0x1  }
0x2: {  	[smem:$0x3F9D] =	sst lr;
	_ =	strace $0xD0000000  }
0x3: {  	_ = 	snop  }
0x4: {  	_ = 	snop  }
0x5: {  	_ = 	snop  }
0x6: {  	_ = 	snop  }
0x7: {  	_ = 	snop  }
__scs_overlays_trampoline_lowered:
0x8: {  	[smem:$0x3FAC] =	sst s0  }
0x9: {  	[smem:$0x3FAD] =	sst s1  }
0xa: {  	[smem:$0x3FAE] =	sst s2  }
0xb: {  	[smem:$0x3FAF] =	sst s3  }
0xc: {  	[smem:$0x3FB0] =	sst s4  }
0xd: {  	[smem:$0x3FB1] =	sst s5  }
0xe: {  	[smem:$0x3FB2] =	sst s6  }
0xf: {  	[smem:$0x3FB3] =	sst s7  }
0x10: {  	[smem:$0x3FB4] =	sst s8  }
0x11: {  	[smem:$0x3FB5] =	sst s9;
	s0 =	simm.s32 @!p0 $0x0  }
0x12: {  	s1 =	sld [smem:$0x3F9B];
	s0 =	simm.s32 @p0 $0x1  }
0x13: {  	[smem:$0x3FB6] =	sst s0;
	s0 =	simm.s32 @!p1 $0x0  }
0x14: {  	s2 =	sld [smem:$0x3F9A];
	s0 =	simm.s32 @p1 $0x1  }
0x15: {  	[smem:$0x3FB7] =	sst s0;
	s0 =	simm.s32 @!p2 $0x0  }
0x16: {  	s3 =	sld [smem:$0x3FDB];
	s0 =	simm.s32 @p2 $0x1  }
0x17: {  	s4 =	simm.s32 $0x1BF5;
	[smem:$0x3FB9] =	sst s0  }
0x18: {  	s0 =	sld [smem:$0x3F9C];
	_ =	swait.ge [sflag:s4], $0x0  }
0x19: {  	s7 =	sld [smem:$0x3F9D]  }
0x1a: {  	s8 =	sadd.s32 $0xFFFFE003, lr  }
0x1b: {  	s9 =	sadd.s32 $0xFFFFFEF7, lr;
	s5 =	simm.s32 $0xFFFFFFFF;
	p2 =	slt.u32 s8, $0xFFFFF086  }
0x1c: {  	p1 =	slt.u32 s9, $0xF7A;
	s5 =	simm.s32 @!p2 $0x0  }
0x1d: {  	s5 =	simm.s32 @p1 $0x1;
	p0 =	seq.s32 s7, s2  }
0x1e: {  	s7 =	smul.u32 @!p0 $0xF7A, s2;
	p2 =	seq.s32 @!p0 s5, $0x0  }
0x1f: {  	s9 =	smul.u32 $0xF7A, s1;
	s8 =	simm.s32 @!p0 $0x1BF5;
	p2 =	por !p2, p0  }
0x20: {  	[sflag:s8] =	ssyncset.s32 @!p0 $0xFFFFF086;
	s6 =	sadd.s32 @!p0 s3, s7;
	s7 =	simm.s32 @!p0 $0x108  }
0x21: {  	s3 =	sadd.s32 s3, s9;
	s6 =	sadd.s32 @!p0 $0x88, s6;
	s7 =	simm.s32 @p2 $0x1082  }
0x22: {  	[simem:s7], [sflag:s8] =	dma.local @!p0 [hbm:s6], $0xF7A  }
0x23: {  	s9 =	sor.u32 $0xD0000000, s2;
	s6 =	simm.s32 $0x108;
	_ =	swait.ge @!p0 [sflag:s8], $0x0  }
0x24: {  	s3 =	sadd.s32 $0x88, s3;
	s6 =	simm.s32 @!p1 $0x1082;
	[sflag:s4] =	ssyncset.s32 $0xFFFFF086  }
0x25: {  	[simem:s6], [sflag:s4] =	dma.local [hbm:s3], $0xF7A  }
0x26: {  	[smem:$0x3F9D] =	sst s1;
	(tag) =	ssettag s2;
	_ =	strace s9  }
0x27: {  	s1 =	sld [smem:$0x3FAD]  }
0x28: {  	s2 =	sld [smem:$0x3FAE]  }
0x29: {  	s4 =	sld [smem:$0x3FB0]  }
0x2a: {  	p0 =	seq.s32 s5, $0x0;
	s5 =	sld [smem:$0x3FB1]  }
0x2b: {  	s6 =	sld [smem:$0x3FB2]  }
0x2c: {  	s7 =	sld [smem:$0x3FB3]  }
0x2d: {  	s3 =	simm.s32 $0x108;
	s8 =	sld [smem:$0x3FB4]  }
0x2e: {  	s3 =	simm.s32 @!p0 $0x1082;
	s9 =	sld [smem:$0x3FB5]  }
0x2f: {  	lr =	sadd.s32 s0, s3;
	s0 =	sld [smem:$0x3FAC]  }
0x30: {  	s3 =	sld [smem:$0x3FAF]  }
0x31: {  	[smem:$0x3FB8] =	sst s10  }
0x32: {  	s10 =	sld [smem:$0x3FB6];
	_ =	sdelay $0x3  }
0x33: {  	p0 =	seq.s32 s10, $0x1;
	s10 =	sld [smem:$0x3FB8];
	_ =	sdelay $0x3  }
0x34: {  	[smem:$0x3FB8] =	sst s10  }
0x35: {  	s10 =	sld [smem:$0x3FB7];
	_ =	sdelay $0x3  }
0x36: {  	p1 =	seq.s32 s10, $0x1;
	s10 =	sld [smem:$0x3FB8];
	_ =	sdelay $0x3  }
0x37: {  	[smem:$0x3FB8] =	sst s10  }
0x38: {  	s10 =	sld [smem:$0x3FB9]  }
0x39: {  	_ = 	snop;
	(pc) =	sbr.ind lr, $3  }
0x3a: {  	_ = 	snop  }
0x3b: {  	_ = 	snop  }
0x3c: {  	p2 =	seq.s32 s10, $0x1;
	s10 =	sld [smem:$0x3FB8]  }
0x3d: {  	_ =	shalt  }
0x3e: {  	_ =	shalt  }
0x3f: {  	_ =	shalt  }
0x40: {  	_ =	shalt  }
0x41: {  	_ =	shalt  }
0x42: {  	_ =	shalt  }
0x43: {  	_ =	shalt  }
0x44: {  	_ =	shalt  }
0x45: {  	_ =	shalt  }
0x46: {  	_ =	shalt  }
0x47: {  	_ =	shalt  }
0x48: {  	_ =	shalt  }
0x49: {  	_ =	shalt  }
0x4a: {  	_ =	shalt  }
0x4b: {  	_ =	shalt  }
0x4c: {  	_ =	shalt  }
0x4d: {  	_ =	shalt  }
0x4e: {  	_ =	shalt  }
0x4f: {  	_ =	shalt  }
0x50: {  	_ =	shalt  }
0x51: {  	_ =	shalt  }
0x52: {  	_ =	shalt  }
0x53: {  	_ =	shalt  }
0x54: {  	_ =	shalt  }
0x55: {  	_ =	shalt  }
0x56: {  	_ =	shalt  }
0x57: {  	_ =	shalt  }
0x58: {  	_ =	shalt  }
0x59: {  	_ =	shalt  }
0x5a: {  	_ =	shalt  }
0x5b: {  	_ =	shalt  }
0x5c: {  	_ =	shalt  }
0x5d: {  	_ =	shalt  }
0x5e: {  	_ =	shalt  }
0x5f: {  	_ =	shalt  }
0x60: {  	_ =	shalt  }
0x61: {  	_ =	shalt  }
0x62: {  	_ =	shalt  }
0x63: {  	_ =	shalt  }
0x64: {  	_ =	shalt  }
0x65: {  	_ =	shalt  }
0x66: {  	_ =	shalt  }
0x67: {  	_ =	shalt  }
0x68: {  	_ =	shalt  }
0x69: {  	_ =	shalt  }
0x6a: {  	_ =	shalt  }
0x6b: {  	_ =	shalt  }
0x6c: {  	_ =	shalt  }
0x6d: {  	_ =	shalt  }
0x6e: {  	_ =	shalt  }
0x6f: {  	_ =	shalt  }
0x70: {  	_ =	shalt  }
0x71: {  	_ =	shalt  }
0x72: {  	_ =	shalt  }
0x73: {  	_ =	shalt  }
0x74: {  	_ =	shalt  }
0x75: {  	_ =	shalt  }
0x76: {  	_ =	shalt  }
0x77: {  	_ =	shalt  }
0x78: {  	_ =	shalt  }
0x79: {  	_ =	shalt  }
0x7a: {  	_ =	shalt  }
0x7b: {  	_ =	shalt  }
0x7c: {  	_ =	shalt  }
0x7d: {  	_ =	shalt  }
0x7e: {  	_ =	shalt  }
0x7f: {  	_ =	shalt  }
0x80: {  	_ =	shalt  }
0x81: {  	_ =	shalt  }
0x82: {  	_ =	shalt  }
0x83: {  	_ =	shalt  }
0x84: {  	_ =	shalt  }
0x85: {  	_ =	shalt  }
0x86: {  	_ =	shalt  }
0x87: {  	_ =	shalt  }
.Lfunc_end0:
.L_simem_size_0:
called_computation_lowered:
.L_overlay_start_0:
0x88: {  	s2 =	sld [smem:$0x3FD9]  }
0x89: {  	s3 =	sld [smem:$0x3FFE];
	_ =	sdelay $0x1  }
0x8a: {  	s1 =	srdreg.scid  }
0x8b: {  	s0 =	sand.u32 $0x1, s1  }
0x8c: {  	s16 =	sshll.u32 s0, $0xA;
	s2 =	sadd.s32 s3, s2  }
0x8d: {  	s2 =	sadd.s32 s2, s16  }
0x8e: {  	[smem:$0x3FC4] =	sst s2  }
0x8f: {  	_ = 	snop  }
0x90: {  	(tm) =	ssettm $0x1  }
0x91: {  	s17 =	sld [smem:$0x3FFB];
	_ =	sdelay $0x3  }
0x92: {  	_ =	strace s17  }
0x93: {  	s2 =	sld [smem:$0x3FFC];
	_ =	sdelay $0x3  }
0x94: {  	_ =	strace s2  }
0x95: {  	s2 =	sld [smem:$0x3FFD];
	_ =	sdelay $0x3  }
0x96: {  	_ =	strace s2  }
0x97: {  	_ =	strace $0x8FFFFFFF  }
0x98: {  	s18 =	sld [smem:$0x3FDB];
	_ =	sdelay $0x1  }
0x99: {  	s19 =	simm.s32 $_scs_section_size  }
0x9a: {  	s4 =	simm.s32 $_size__tile_overlayer_lowered;
	s5 =	simm.s32 $_tile_overlayer_lowered  }
0x9b: {  	s22 =	simm.s32 $0x1BFF;
	s21 =	sshll.u32 s5, $0x1;
	s2 =	sadd.s32 s19, s18  }
0x9c: {  	s6 =	simm.s32 $0x0;
	s20 =	sshll.u32 s4, $0x1;
	s4 =	sadd.s32 s21, s2  }
0x9d: {  	[timem:s6], [sflag:s22] =	dma.local [hbm:s4], s20  }
0x9e: {  	_ =	swait.ge [sflag:s22], s20  }
0x9f: {  	s3 =	ssub.s32 $0x0, s20;
	[sflag:s22] =	ssyncset.done $0x0  }
0xa0: {  	[sflag:s22] =	ssyncadd.s32 s3;
	_ =	sdelay $0x1  }
0xa1: {  	s23 =	simm.s32 $0x1B8B  }
0xa2: {  	_ =	swait.ge [sflag:s23], $0x1  }
0xa3: {  	[sflag:s23] =	ssyncset.done $0x0  }
0xa4: {  	s25 =	simm.s32 $0x1B8E;
	s24 =	sld [smem:$0x3FFE];
	[sflag:s23] =	ssyncadd.s32 $0xFFFFFFFF  }
0xa5: {  	s26 =	simm.s32 $execute0_lowered;
	[smem:$0x3FD2] =	sst s25  }
0xa6: {  	s4 =	sshll.u32 s26, $0x1;
	_ =	strace $0x80000046;
	[dreg:$0x1] =	wrdreg $0xFFFFFFFF  }
0xa7: {  	s28 =	simm.s32 $_size_execute0_lowered;
	s2 =	sadd.s32 s2, s4;
	[dreg:$0x0] =	wrdreg $0x0  }
0xa8: {  	s4 =	sshll.u32 s28, $0x1;
	[dreg:$0x2] =	wrdreg s2  }
0xa9: {  	[dreg:$0x3] =	wrdreg s4  }
0xaa: {  	[dreg:$0x4] =	wrdreg $0xC0  }
0xab: {  	_ =	task [dreg:s6], $0x5FFFF  }
0xac: {  	[dreg:$0x1] =	wrdreg $0xFFFFFFFF  }
0xad: {  	[dreg:$0x0] =	wrdreg $0x60  }
0xae: {  	[dreg:$0x2] =	wrdreg s24  }
0xaf: {  	[dreg:$0x3] =	wrdreg $0x9  }
0xb0: {  	_ =	task.clear_ibuf [dreg:s6], $0x4FFFF;
	_ =	strace $0x90000046  }
0xb1: {  	s29 =	simm.s32 $0x9;
	_ =	strace $0x80000048  }
0xb2: {  	_ =	swait.ge [sflag:s29], $0x1  }
0xb3: {  	[sflag:s29] =	ssyncadd.s32 $0xFFFFFFFF  }
0xb4: {  	_ =	strace $0x90000048  }
0xb5: {  	_ =	sfence  }
0xb6: {  	s30 =	sld [smem:$0x0];
	_ =	sdelay $0x2  }
0xb7: {  	s31 =	sshll.u32 s1, $0xD;
	s1 =	sshrl.u32 s1, $0x2  }
0xb8: {  	s3 =	sand.u32 $0x4000, s31;
	s1 =	sadd.s32 s1, s30  }
0xb9: {  	s0 =	sor.u32 s3, s0;
	s1 =	sshll.u32 s1, $0x11  }
0xba: {  	s0 =	sor.u32 s1, s0  }
0xbb: {  	s0 =	sadd.s32 $0x8F2B, s0  }
0xbc: {  	[sflag:s0] =	ssyncadd.remote.s32 $0x1  }
0xbd: {  	_ =	sfence.sel $0xFFFF  }
0xbe: {  	[dreg:$0x0] =	wrdreg $0xFFFFFFFF;
	(pc) =	sbr.abs _section_cstart, $3  }
0xbf: {  	[dreg:$0x1] =	wrdreg $0xFFFFFFFF  }
0xc0: {  	_ =	task.clear_ibuf [dreg:s6], $0x2FFFF;
	_ =	strace $0x9FFFFFFF  }
0xc1: {  	(tm) =	ssettm $0x7FFFFFFF  }
tec
execute0_lowered:
.L_overlay_start_1:
0x0: {  	(tag) =	ssettag $0x1  }
0x1: {  	s0 =	rddreg [dreg:$0x0]  }
0x2: {  	s2 =	simm.s32 $0x0;
	s1 =	srdreg.scid;
	s3 =	stileid.u32  }
0x3: {  	s15 =	simm.s32 $0x7;
	s16 =	simm.s32 $0x80;
	s18 =	simm.s32 $0x1  }
0x4: {  	s19 =	simm.s32 $0x3;
	s21 =	simm.s32 $0x5;
	s22 =	simm.s32 $0x10000  }
0x5: {  	s23 =	simm.s32 $0x4;
	s24 =	simm.s32 $0x6;
	s25 =	simm.s32 $0x0  }
0x6: {  	[smem:$0x7FF] =	sst s2;
	s1 =	sand.u32 $0x1, s1;
	s5 =	sshll.u32 s3, $0x1  }
0x7: {  	s3 =	sadd.s32 $0xDD600, s0;
	s6 =	sadd.s32 $0xAC8800, s0;
	s5 =	sor.u32 s1, s5  }
0x8: {  	s4 =	sadd.s32 $0x600, s0;
	_ =	strace $0x80000047;
	s7 =	smul.u32 $0x30D4, s5  }
.Ltmp0:
0x9: {  	s1 =	ssub.s32 $0x2, s1;
	s11 =	sshll.u32 s5, $0xB;
	(pc) =	sbr.rel .LBB2_1-.Ltmp0, $4  }
0xa: {  	s8 =	sshrl.u32 s1, $0x1;
	s9 =	sor.u32 $0x3FFE0, s5;
	s10 =	sor.u32 $0x2E0, s5  }
0xb: {  	s12 =	sadd.s32 s11, s0;
	s1 =	ssub.s32 s1, s8;
	s8 =	sadd.s32 $0xE00, s0  }
0xc: {  	s31 =	sadd.s32 s11, s6;
	s7 =	sadd.s32 s3, s7;
	s11 =	sadd.s32 $0xD600, s12  }
0xd: {  	s12 =	sadd.s32 $0x190000, s31;
	s13 =	sadd.s32 $0x260000, s31;
	s14 =	smax.u32 s1, $0x1  }
.LBB2_15:
0xe: {  	_ =	swait.ge [sflag:s19], $0x4000  }
0xf: {  	[sflag:s19] =	ssyncset.done $0x0  }
0x10: {  	s0 =	simm.s32 $0xC000;
	[sflag:s19] =	ssyncadd.s32 $0xFFFFC000  }
0x11: {  	[hbm4b:s12+s2] =	stream.linear.scatter [tilespmem:s0], [sflag:$0x4], $0x4000, $0x38;
	[tilespmem:$0x18000] =	vst v63  }
0x12: {  	_ =	swait.ge [sflag:s21], $0x4000  }
0x13: {  	[sflag:s21] =	ssyncset.done $0x0  }
0x14: {  	[sflag:s21] =	ssyncadd.s32 $0xFFFFC000  }
0x15: {  	[hbm4b:s13+s2] =	stream.linear.scatter [tilespmem:s22], [sflag:$0x6], $0x4000, $0x38;
	[tilespmem:$0x18000] =	vst v63  }
0x16: {  	_ =	swait.ge [sflag:s23], $0x4000  }
0x17: {  	[sflag:s23] =	ssyncset.done $0x0  }
0x18: {  	[sflag:s23] =	ssyncadd.s32 $0xFFFFC000  }
0x19: {  	_ =	swait.ge [sflag:s23], $0x4000  }
0x1a: {  	[sflag:s23] =	ssyncset.done $0x0  }
0x1b: {  	s25 =	sadd.s32 $0x1, s25;
	[sflag:s23] =	ssyncadd.s32 $0xFFFFC000  }
0x1c: {  	p0 =	sne.s32 s25, s14;
	_ =	swait.ge [sflag:s24], $0x4000  }
.Ltmp1:
0x1d: {  	[sflag:s24] =	ssyncset.done $0x0;
	(pc) =	sbr.rel @!p0 .LBB2_16-.Ltmp1, $4  }
0x1e: {  	[sflag:s24] =	ssyncadd.s32 $0xFFFFC000  }
0x1f: {  	_ =	swait.ge [sflag:s24], $0x4000  }
0x20: {  	[sflag:s24] =	ssyncset.done $0x0  }
0x21: {  	[sflag:s24] =	ssyncadd.s32 $0xFFFFC000  }
.LBB2_1:
0x22: {  	[tilespmem:s2], [sflag:$0x7] =	stream.linear.gather [hbm4b:s4+s2], $0x4000, $0x38;
	[tilespmem:$0x18000] =	vst v63  }
0x23: {  	_ =	swait.ge [sflag:s15], $0x4000  }
0x24: {  	[sflag:s15] =	ssyncset.done $0x0  }
0x25: {  	s0 =	simm.s32 $0x0;
	s1 =	simm.s32 $0x8000;
	[sflag:s15] =	ssyncadd.s32 $0xFFFFC000  }
0x26: {  	[tilespmem:s1], [sflag:$0x2] =	stream.indirect.gather [hbm4b:s7+s16], $0x1, s0, s16, $0xb8;
	[tilespmem:$0x18000] =	vst v63  }
0x27: {  	s17 =	simm.s32 $0x8080;
	s20 =	simm.s32 $0x80  }
0x28: {  	[tilespmem:s17], [sflag:$0x2] =	stream.indirect.gather [hbm4b:s7+s16], $0x1, s20, s16, $0xb8;
	[tilespmem:$0x18000] =	vst v63  }
0x29: {  	s26 =	simm.s32 $0x8100;
	s29 =	simm.s32 $0x100  }
0x2a: {  	[tilespmem:s26], [sflag:$0x2] =	stream.indirect.gather [hbm4b:s7+s16], $0x1, s29, s16, $0xb8;
	[tilespmem:$0x18000] =	vst v63  }
0x2b: {  	s30 =	simm.s32 $0x8180;
	s31 =	simm.s32 $0x180;
	s28 =	simm.s32 $0x380  }
0x2c: {  	[tilespmem:s30], [sflag:$0x2] =	stream.indirect.gather [hbm4b:s7+s16], $0x1, s31, s16, $0xb8;
	[tilespmem:$0x18000] =	vst v63  }
0x2d: {  	s0 =	simm.s32 $0x2000;
	s17 =	simm.s32 $0x8200;
	s20 =	simm.s32 $0x200  }
0x2e: {  	[tilespmem:s17], [sflag:$0x2] =	stream.indirect.gather [hbm4b:s7+s16], $0x1, s20, s16, $0xb8;
	[tilespmem:$0x18000] =	vst v63  }
0x2f: {  	s1 =	simm.s32 $0x8380;
	s26 =	simm.s32 $0x8280;
	s29 =	simm.s32 $0x280  }
0x30: {  	[tilespmem:s26], [sflag:$0x2] =	stream.indirect.gather [hbm4b:s7+s16], $0x1, s29, s16, $0xb8;
	[tilespmem:$0x18000] =	vst v63  }
0x31: {  	s30 =	simm.s32 $0x8300;
	s31 =	simm.s32 $0x300;
	s26 =	simm.s32 $0x400  }
0x32: {  	[tilespmem:s30], [sflag:$0x2] =	stream.indirect.gather [hbm4b:s7+s16], $0x1, s31, s16, $0xb8;
	[tilespmem:$0x18000] =	vst v63  }
.LBB2_2:
0x33: {  	[tilespmem:s1], [sflag:$0x2] =	stream.indirect.gather [hbm4b:s7+s16], $0x1, s28, s16, $0xb8;
	[tilespmem:$0x18000] =	vst v63  }
0x34: {  	s1 =	smov.u32 s0  }
0x35: {  	s30 =	sadd.s32 $0x1000, s0;
	s29 =	sshra.s32 s1, $0x2;
	s1 =	sadd.s32 $0x8000, s26  }
0x36: {  	[tilespmem:s1], [sflag:$0x2] =	stream.indirect.gather [hbm4b:s7+s16], $0x1, s26, s16, $0xb8;
	[tilespmem:$0x18000] =	vst v63  }
0x37: {  	p0 =	sne.s32 s0, $0xF000;
	s0 =	sadd.s32 $0x8080, s26;
	s1 =	sadd.s32 $0x80, s26  }
0x38: {  	[tilespmem:s0], [sflag:$0x2] =	stream.indirect.gather [hbm4b:s7+s16], $0x1, s1, s16, $0xb8;
	[tilespmem:$0x18000] =	vst v63  }
0x39: {  	s0 =	sadd.s32 $0x8100, s26;
	s1 =	sadd.s32 $0x100, s26  }
0x3a: {  	[tilespmem:s0], [sflag:$0x2] =	stream.indirect.gather [hbm4b:s7+s16], $0x1, s1, s16, $0xb8;
	[tilespmem:$0x18000] =	vst v63  }
0x3b: {  	s0 =	sadd.s32 $0x8180, s26;
	s1 =	sadd.s32 $0x180, s26  }
0x3c: {  	[tilespmem:s0], [sflag:$0x2] =	stream.indirect.gather [hbm4b:s7+s16], $0x1, s1, s16, $0xb8;
	[tilespmem:$0x18000] =	vst v63  }
0x3d: {  	s0 =	sadd.s32 $0x8200, s26;
	s1 =	sadd.s32 $0x200, s26  }
0x3e: {  	[tilespmem:s0], [sflag:$0x2] =	stream.indirect.gather [hbm4b:s7+s16], $0x1, s1, s16, $0xb8;
	[tilespmem:$0x18000] =	vst v63  }
.Ltmp2:
0x3f: {  	s0 =	sadd.s32 $0x8280, s26;
	s1 =	sadd.s32 $0x280, s26;
	(pc) =	sbr.rel @p0 .LBB2_2-.Ltmp2, $4  }
0x40: {  	[tilespmem:s0], [sflag:$0x2] =	stream.indirect.gather [hbm4b:s7+s16], $0x1, s1, s16, $0xb8;
	[tilespmem:$0x18000] =	vst v63  }
0x41: {  	s28 =	sadd.s32 $0x380, s26;
	s0 =	sadd.s32 $0x8300, s26;
	s1 =	sadd.s32 $0x300, s26  }
0x42: {  	[tilespmem:s0], [sflag:$0x2] =	stream.indirect.gather [hbm4b:s7+s16], $0x1, s1, s16, $0xb8;
	[tilespmem:$0x18000] =	vst v63  }
0x43: {  	s1 =	sadd.s32 $0x8380, s26;
	s26 =	smov.u32 s29;
	s0 =	smov.u32 s30  }
0x44: {  	[tilespmem:s1], [sflag:$0x2] =	stream.indirect.gather [hbm4b:s7+s16], $0x1, s28, s16, $0xb8;
	[tilespmem:$0x18000] =	vst v63  }
0x45: {  	s0 =	sadd.s32 $0x8000, s26  }
0x46: {  	[tilespmem:s0], [sflag:$0x2] =	stream.indirect.gather [hbm4b:s7+s16], $0x1, s26, s16, $0xb8;
	[tilespmem:$0x18000] =	vst v63  }
0x47: {  	s30 =	sadd.s32 $0x8080, s26;
	s31 =	sadd.s32 $0x80, s26  }
0x48: {  	[tilespmem:s30], [sflag:$0x2] =	stream.indirect.gather [hbm4b:s7+s16], $0x1, s31, s16, $0xb8;
	[tilespmem:$0x18000] =	vst v63  }
0x49: {  	s17 =	sadd.s32 $0x8100, s26;
	s20 =	sadd.s32 $0x100, s26  }
0x4a: {  	[tilespmem:s17], [sflag:$0x2] =	stream.indirect.gather [hbm4b:s7+s16], $0x1, s20, s16, $0xb8;
	[tilespmem:$0x18000] =	vst v63  }
0x4b: {  	s28 =	sadd.s32 $0x8180, s26;
	s29 =	sadd.s32 $0x180, s26  }
0x4c: {  	[tilespmem:s28], [sflag:$0x2] =	stream.indirect.gather [hbm4b:s7+s16], $0x1, s29, s16, $0xb8;
	[tilespmem:$0x18000] =	vst v63  }
0x4d: {  	s30 =	sadd.s32 $0x8200, s26;
	s31 =	sadd.s32 $0x200, s26  }
0x4e: {  	[tilespmem:s30], [sflag:$0x2] =	stream.indirect.gather [hbm4b:s7+s16], $0x1, s31, s16, $0xb8;
	[tilespmem:$0x18000] =	vst v63  }
0x4f: {  	s1 =	sadd.s32 $0x8280, s26;
	s17 =	sadd.s32 $0x280, s26  }
0x50: {  	[tilespmem:s1], [sflag:$0x2] =	stream.indirect.gather [hbm4b:s7+s16], $0x1, s17, s16, $0xb8;
	[tilespmem:$0x18000] =	vst v63  }
0x51: {  	s20 =	sadd.s32 $0x8300, s26;
	s28 =	sadd.s32 $0x300, s26  }
0x52: {  	[tilespmem:s20], [sflag:$0x2] =	stream.indirect.gather [hbm4b:s7+s16], $0x1, s28, s16, $0xb8;
	[tilespmem:$0x18000] =	vst v63  }
.Ltmp3:
0x53: {  	_ = 	snop;
	(pc) =	sbr.rel .LBB2_4-.Ltmp3, $4  }
0x54: {  	s29 =	sadd.s32 $0x8380, s26;
	s30 =	sadd.s32 $0x380, s26  }
0x55: {  	[tilespmem:s29], [sflag:$0x2] =	stream.indirect.gather [hbm4b:s7+s16], $0x1, s30, s16, $0xb8;
	[tilespmem:$0x18000] =	vst v63  }
0x56: {  	s31 =	simm.s32 $0x4000;
	s26 =	simm.s32 $0x1  }
0x57: {  	[tilespmem:s31], [sflag:$0x1] =	stream.linear.gather [hbm4b:s8+s2], $0x4000, $0x38;
	[tilespmem:$0x18000] =	vst v63  }
.LBB2_6:
0x58: {  	_ = 	snop  }
.LBB2_10:
0x59: {  	[tilespmem:s31], [sflag:$0x2] =	stream.indirect.gather @p0 [hbm4b:s29+s16], $0x1, s1, s16, $0xb8;
	[tilespmem:$0x18000] =	vst v63  }
0x5a: {  	s0 =	sadd.s32 $0x8000, s30  }
0x5b: {  	[tilespmem:s0], [sflag:$0x2] =	stream.indirect.gather [hbm4b:s29+s16], $0x1, s30, s16, $0xb8;
	[tilespmem:$0x18000] =	vst v63  }
0x5c: {  	s20 =	sadd.s32 $0x8080, s30;
	s31 =	sadd.s32 $0x80, s30  }
0x5d: {  	[tilespmem:s20], [sflag:$0x2] =	stream.indirect.gather [hbm4b:s29+s16], $0x1, s31, s16, $0xb8;
	[tilespmem:$0x18000] =	vst v63  }
0x5e: {  	s1 =	sadd.s32 $0x8100, s30;
	s17 =	sadd.s32 $0x100, s30  }
0x5f: {  	[tilespmem:s1], [sflag:$0x2] =	stream.indirect.gather [hbm4b:s29+s16], $0x1, s17, s16, $0xb8;
	[tilespmem:$0x18000] =	vst v63  }
0x60: {  	s20 =	sadd.s32 $0x8180, s30;
	s31 =	sadd.s32 $0x180, s30  }
0x61: {  	[tilespmem:s20], [sflag:$0x2] =	stream.indirect.gather [hbm4b:s29+s16], $0x1, s31, s16, $0xb8;
	[tilespmem:$0x18000] =	vst v63  }
0x62: {  	s1 =	sadd.s32 $0x8200, s30;
	s17 =	sadd.s32 $0x200, s30  }
0x63: {  	[tilespmem:s1], [sflag:$0x2] =	stream.indirect.gather [hbm4b:s29+s16], $0x1, s17, s16, $0xb8;
	[tilespmem:$0x18000] =	vst v63  }
0x64: {  	s20 =	sadd.s32 $0x8280, s30;
	s31 =	sadd.s32 $0x280, s30  }
0x65: {  	[tilespmem:s20], [sflag:$0x2] =	stream.indirect.gather [hbm4b:s29+s16], $0x1, s31, s16, $0xb8;
	[tilespmem:$0x18000] =	vst v63  }
0x66: {  	s1 =	sadd.s32 $0x8300, s30;
	s17 =	sadd.s32 $0x300, s30  }
0x67: {  	[tilespmem:s1], [sflag:$0x2] =	stream.indirect.gather [hbm4b:s29+s16], $0x1, s17, s16, $0xb8;
	[tilespmem:$0x18000] =	vst v63  }
0x68: {  	s0 =	simm.s32 $0x3;
	s20 =	sadd.s32 $0x8380, s30;
	s31 =	sadd.s32 $0x380, s30  }
0x69: {  	[tilespmem:s20], [sflag:$0x2] =	stream.indirect.gather [hbm4b:s29+s16], $0x1, s31, s16, $0xb8;
	[tilespmem:$0x18000] =	vst v63  }
.LBB2_14:
0x6a: {  	s1 =	sshll.u32 s26, $0xE  }
0x6b: {  	s17 =	sadd.s32 s9, s28;
	_ =	swait.ge [sflag:s0], $0x4000;
	p0 =	seq.s32 s26, $0x19  }
0x6c: {  	s1 =	sand.u32 $0x4000, s1;
	s17 =	sshll.u32 s17, $0xB;
	[sflag:s0] =	ssyncset.done $0x0  }
0x6d: {  	s20 =	sxor.u32 $0x4000, s1;
	s17 =	sand.u32 $0x1FFFF800, s17;
	[sflag:s0] =	ssyncadd.s32 $0xFFFFC000  }
0x6e: {  	s0 =	sshll.u32 @!p0 s26, $0xB;
	s30 =	sadd.s32 s6, s17;
	s31 =	sor.u32 $0x8000, s20  }
0x6f: {  	[hbm4b:s30+s2] =	stream.linear.scatter [tilespmem:s31], [sflag:$0x4], $0x4000, $0x38;
	[tilespmem:$0x18000] =	vst v63  }
0x70: {  	s0 =	sadd.s32 @!p0 s0, s8;
	s17 =	simm.s32 @!p0 $0x0  }
0x71: {  	[tilespmem:s20], [sflag:$0x1] =	stream.linear.gather @!p0 [hbm4b:s0+s17], $0x4000, $0x38;
	[tilespmem:$0x18000] =	vst v63  }
0x72: {  	s0 =	sadd.s32 @!p0 $0xFFFFFFFE, s26  }
0x73: {  	p1 =	sgt.u32 @!p0 s0, $0xC  }
0x74: {  	p2 =	por p1, p0  }
0x75: {  	p3 =	slt.u32 @!p2 s26, $0x4  }
0x76: {  	p3 =	por @!p0 p3, p1  }
0x77: {  	p3 =	por p3, p0  }
0x78: {  	s17 =	simm.s32 @!p3 $0x6  }
0x79: {  	_ =	swait.ge @!p3 [sflag:s17], $0x4000  }
0x7a: {  	[sflag:s17] =	ssyncset.done @!p3 $0x0  }
0x7b: {  	[sflag:s17] =	ssyncadd.s32 @!p3 $0xFFFFC000;
	s17 =	sshll.u32 @!p2 s0, $0x10  }
0x7c: {  	s1 =	sor.u32 @!p2 $0x10000, s1;
	s20 =	simm.s32 @!p2 $0x0;
	s17 =	sadd.s32 @!p2 s17, s11  }
0x7d: {  	[tilespmem:s1], [sflag:$0x5] =	stream.linear.gather @!p2 [hbm4b:s17+s20], $0x4000, $0x38;
	[tilespmem:$0x18000] =	vst v63  }
0x7e: {  	p2 =	seq.s32 @!p2 s0, $0x0  }
0x7f: {  	p1 =	por @!p0 p2, p1  }
0x80: {  	p1 =	por p1, p0  }
0x81: {  	s0 =	simm.s32 @!p1 $0x5  }
0x82: {  	s1 =	sxor.u32 @!p1 $0xFFFFFFFF, s26;
	s17 =	sadd.s32 @!p1 s10, s28;
	_ =	swait.ge @!p1 [sflag:s0], $0x4000  }
0x83: {  	s26 =	sadd.s32 @!p0 $0x1, s26;
	s1 =	sshll.u32 @!p1 s1, $0xE;
	[sflag:s0] =	ssyncset.done @!p1 $0x0  }
0x84: {  	s1 =	sand.u32 @!p1 $0x4000, s1;
	[sflag:s0] =	ssyncadd.s32 @!p1 $0xFFFFC000;
	s0 =	sshll.u32 @!p1 s17, $0xB  }
0x85: {  	s1 =	sor.u32 @!p1 $0x10000, s1;
	s17 =	simm.s32 @!p1 $0x0;
	s0 =	sadd.s32 @!p1 s6, s0  }
0x86: {  	[hbm4b:s0+s17] =	stream.linear.scatter @!p1 [tilespmem:s1], [sflag:$0x6], $0x4000, $0x38;
	[tilespmem:$0x18000] =	vst v63  }
0x87: {  	p1 =	sne.s32 @!p0 s26, $0x1A  }
0x88: {  	p0 =	por p0, !p1  }
.Ltmp4:
0x89: {  	_ = 	snop;
	(pc) =	sbr.rel @p0 .LBB2_15-.Ltmp4, $1  }
0x8a: {  	_ =	sdelay $0x3  }
.LBB2_4:
0x8b: {  	p0 =	slt.u32 s26, $0x2  }
0x8c: {  	s1 =	sand.u32 @!p0 $0x1, s26  }
0x8d: {  	p1 =	seq.s32 @!p0 s1, $0x1  }
0x8e: {  	_ =	swait.ge [sflag:s18], $0x4000;
	p1 =	por p0, p1  }
.Ltmp5:
0x8f: {  	[sflag:s18] =	ssyncset.done $0x0;
	(pc) =	sbr.rel @!p1 .LBB2_5-.Ltmp5, $4  }
0x90: {  	s0 =	simm.s32 @!p0 $0x4;
	[sflag:s18] =	ssyncadd.s32 $0xFFFFC000  }
0x91: {  	_ =	swait.ge @!p0 [sflag:s0], $0x4000  }
0x92: {  	[sflag:s0] =	ssyncset.done @!p0 $0x0  }
0x93: {  	s28 =	sshll.u32 s26, $0x5;
	[sflag:s0] =	ssyncadd.s32 @!p0 $0xFFFFC000  }
0x94: {  	s28 =	sshll.u32 s26, $0x5  }
0x95: {  	s0 =	sor.u32 s5, s28  }
0x96: {  	s0 =	smul.u32 $0x30D4, s0;
	_ =	sdelay $0x1  }
0x97: {  	s20 =	simm.s32 $0x4000;
	s1 =	simm.s32 $0xC000;
	s29 =	sadd.s32 s3, s0  }
0x98: {  	[tilespmem:s1], [sflag:$0x3] =	stream.indirect.gather [hbm4b:s29+s16], $0x1, s20, s16, $0xb8;
	[tilespmem:$0x18000] =	vst v63  }
0x99: {  	s17 =	simm.s32 $0xC080;
	s20 =	simm.s32 $0x4080  }
0x9a: {  	[tilespmem:s17], [sflag:$0x3] =	stream.indirect.gather [hbm4b:s29+s16], $0x1, s20, s16, $0xb8;
	[tilespmem:$0x18000] =	vst v63  }
0x9b: {  	s17 =	simm.s32 $0xC100;
	s20 =	simm.s32 $0x4100  }
0x9c: {  	[tilespmem:s17], [sflag:$0x3] =	stream.indirect.gather [hbm4b:s29+s16], $0x1, s20, s16, $0xb8;
	[tilespmem:$0x18000] =	vst v63  }
0x9d: {  	s30 =	simm.s32 $0x400;
	s17 =	simm.s32 $0xC180;
	s20 =	simm.s32 $0x4180  }
0x9e: {  	[tilespmem:s17], [sflag:$0x3] =	stream.indirect.gather [hbm4b:s29+s16], $0x1, s20, s16, $0xb8;
	[tilespmem:$0x18000] =	vst v63  }
0x9f: {  	s31 =	simm.s32 $0x2000;
	s17 =	simm.s32 $0xC200;
	s20 =	simm.s32 $0x4200  }
0xa0: {  	[tilespmem:s17], [sflag:$0x3] =	stream.indirect.gather [hbm4b:s29+s16], $0x1, s20, s16, $0xb8;
	[tilespmem:$0x18000] =	vst v63  }
0xa1: {  	s0 =	simm.s32 $0xC380;
	s17 =	simm.s32 $0xC280;
	s20 =	simm.s32 $0x4280  }
0xa2: {  	[tilespmem:s17], [sflag:$0x3] =	stream.indirect.gather [hbm4b:s29+s16], $0x1, s20, s16, $0xb8;
	[tilespmem:$0x18000] =	vst v63  }
0xa3: {  	s1 =	simm.s32 $0x4380;
	s17 =	simm.s32 $0xC300;
	s20 =	simm.s32 $0x4300  }
0xa4: {  	[tilespmem:s17], [sflag:$0x3] =	stream.indirect.gather [hbm4b:s29+s16], $0x1, s20, s16, $0xb8;
	[tilespmem:$0x18000] =	vst v63  }
.LBB2_12:
0xa5: {  	[tilespmem:s0], [sflag:$0x3] =	stream.indirect.gather [hbm4b:s29+s16], $0x1, s1, s16, $0xb8;
	[tilespmem:$0x18000] =	vst v63  }
0xa6: {  	s0 =	smov.u32 s31  }
0xa7: {  	s17 =	sshra.s32 s31, $0x2;
	s1 =	sadd.s32 $0xC000, s30;
	s0 =	sadd.s32 $0x4000, s30  }
0xa8: {  	[tilespmem:s1], [sflag:$0x3] =	stream.indirect.gather [hbm4b:s29+s16], $0x1, s0, s16, $0xb8;
	[tilespmem:$0x18000] =	vst v63  }
0xa9: {  	s20 =	sadd.s32 $0x1000, s31;
	s0 =	sadd.s32 $0xC080, s30;
	s1 =	sadd.s32 $0x4080, s30  }
0xaa: {  	[tilespmem:s0], [sflag:$0x3] =	stream.indirect.gather [hbm4b:s29+s16], $0x1, s1, s16, $0xb8;
	[tilespmem:$0x18000] =	vst v63  }
0xab: {  	p0 =	sne.s32 s31, $0xF000;
	s0 =	sadd.s32 $0xC100, s30;
	s1 =	sadd.s32 $0x4100, s30  }
0xac: {  	[tilespmem:s0], [sflag:$0x3] =	stream.indirect.gather [hbm4b:s29+s16], $0x1, s1, s16, $0xb8;
	[tilespmem:$0x18000] =	vst v63  }
0xad: {  	s0 =	sadd.s32 $0xC180, s30;
	s1 =	sadd.s32 $0x4180, s30  }
0xae: {  	[tilespmem:s0], [sflag:$0x3] =	stream.indirect.gather [hbm4b:s29+s16], $0x1, s1, s16, $0xb8;
	[tilespmem:$0x18000] =	vst v63  }
0xaf: {  	s0 =	sadd.s32 $0xC200, s30;
	s1 =	sadd.s32 $0x4200, s30  }
0xb0: {  	[tilespmem:s0], [sflag:$0x3] =	stream.indirect.gather [hbm4b:s29+s16], $0x1, s1, s16, $0xb8;
	[tilespmem:$0x18000] =	vst v63  }
.Ltmp6:
0xb1: {  	s0 =	sadd.s32 $0xC280, s30;
	s1 =	sadd.s32 $0x4280, s30;
	(pc) =	sbr.rel @p0 .LBB2_12-.Ltmp6, $4  }
0xb2: {  	[tilespmem:s0], [sflag:$0x3] =	stream.indirect.gather [hbm4b:s29+s16], $0x1, s1, s16, $0xb8;
	[tilespmem:$0x18000] =	vst v63  }
0xb3: {  	s31 =	smov.u32 s20;
	s0 =	sadd.s32 $0xC300, s30;
	s1 =	sadd.s32 $0x4300, s30  }
0xb4: {  	[tilespmem:s0], [sflag:$0x3] =	stream.indirect.gather [hbm4b:s29+s16], $0x1, s1, s16, $0xb8;
	[tilespmem:$0x18000] =	vst v63  }
0xb5: {  	s0 =	sadd.s32 $0xC380, s30;
	s1 =	sadd.s32 $0x4380, s30;
	s30 =	smov.u32 s17  }
0xb6: {  	[tilespmem:s0], [sflag:$0x3] =	stream.indirect.gather [hbm4b:s29+s16], $0x1, s1, s16, $0xb8;
	[tilespmem:$0x18000] =	vst v63  }
0xb7: {  	s1 =	sadd.s32 $0x4000, s30;
	s17 =	sadd.s32 $0xC000, s30  }
0xb8: {  	[tilespmem:s17], [sflag:$0x3] =	stream.indirect.gather [hbm4b:s29+s16], $0x1, s1, s16, $0xb8;
	[tilespmem:$0x18000] =	vst v63  }
0xb9: {  	s20 =	sadd.s32 $0xC080, s30;
	s31 =	sadd.s32 $0x4080, s30  }
0xba: {  	[tilespmem:s20], [sflag:$0x3] =	stream.indirect.gather [hbm4b:s29+s16], $0x1, s31, s16, $0xb8;
	[tilespmem:$0x18000] =	vst v63  }
0xbb: {  	s1 =	sadd.s32 $0xC100, s30;
	s17 =	sadd.s32 $0x4100, s30  }
0xbc: {  	[tilespmem:s1], [sflag:$0x3] =	stream.indirect.gather [hbm4b:s29+s16], $0x1, s17, s16, $0xb8;
	[tilespmem:$0x18000] =	vst v63  }
0xbd: {  	s20 =	sadd.s32 $0xC180, s30;
	s31 =	sadd.s32 $0x4180, s30  }
0xbe: {  	[tilespmem:s20], [sflag:$0x3] =	stream.indirect.gather [hbm4b:s29+s16], $0x1, s31, s16, $0xb8;
	[tilespmem:$0x18000] =	vst v63  }
0xbf: {  	s1 =	sadd.s32 $0xC200, s30;
	s17 =	sadd.s32 $0x4200, s30  }
0xc0: {  	[tilespmem:s1], [sflag:$0x3] =	stream.indirect.gather [hbm4b:s29+s16], $0x1, s17, s16, $0xb8;
	[tilespmem:$0x18000] =	vst v63  }
0xc1: {  	s20 =	sadd.s32 $0xC280, s30;
	s31 =	sadd.s32 $0x4280, s30  }
0xc2: {  	[tilespmem:s20], [sflag:$0x3] =	stream.indirect.gather [hbm4b:s29+s16], $0x1, s31, s16, $0xb8;
	[tilespmem:$0x18000] =	vst v63  }
.Ltmp7:
0xc3: {  	_ = 	snop;
	(pc) =	sbr.rel .LBB2_14-.Ltmp7, $4  }
0xc4: {  	s1 =	sadd.s32 $0xC300, s30;
	s17 =	sadd.s32 $0x4300, s30  }
0xc5: {  	[tilespmem:s1], [sflag:$0x3] =	stream.indirect.gather [hbm4b:s29+s16], $0x1, s17, s16, $0xb8;
	[tilespmem:$0x18000] =	vst v63  }
0xc6: {  	s0 =	simm.s32 $0x2;
	s20 =	sadd.s32 $0xC380, s30;
	s31 =	sadd.s32 $0x4380, s30  }
0xc7: {  	[tilespmem:s20], [sflag:$0x3] =	stream.indirect.gather [hbm4b:s29+s16], $0x1, s31, s16, $0xb8;
	[tilespmem:$0x18000] =	vst v63  }
.LBB2_5:
0xc8: {  	p1 =	por $0x0, $0x0  }
.Ltmp8:
0xc9: {  	_ = 	snop;
	(pc) =	sbr.rel @p1 .LBB2_6-.Ltmp8, $3  }
0xca: {  	s0 =	sor.u32 s5, s28  }
0xcb: {  	s0 =	smul.u32 $0x30D4, s0;
	_ =	sdelay $0x1  }
0xcc: {  	s30 =	simm.s32 $0x0;
	p0 =	por $0x0, $0x0;
	s29 =	sadd.s32 s3, s0  }
0xcd: {  	s0 =	simm.s32 $0x8000  }
0xce: {  	[tilespmem:s0], [sflag:$0x2] =	stream.indirect.gather [hbm4b:s29+s16], $0x1, s30, s16, $0xb8;
	[tilespmem:$0x18000] =	vst v63  }
0xcf: {  	s20 =	simm.s32 $0x8080;
	s1 =	simm.s32 $0x80  }
0xd0: {  	[tilespmem:s20], [sflag:$0x2] =	stream.indirect.gather [hbm4b:s29+s16], $0x1, s1, s16, $0xb8;
	[tilespmem:$0x18000] =	vst v63  }
0xd1: {  	s17 =	simm.s32 $0x8100;
	s20 =	simm.s32 $0x100  }
0xd2: {  	[tilespmem:s17], [sflag:$0x2] =	stream.indirect.gather [hbm4b:s29+s16], $0x1, s20, s16, $0xb8;
	[tilespmem:$0x18000] =	vst v63  }
0xd3: {  	p1 =	por $0x0, $0x0;
	s17 =	simm.s32 $0x8180;
	s20 =	simm.s32 $0x180  }
0xd4: {  	[tilespmem:s17], [sflag:$0x2] =	stream.indirect.gather [hbm4b:s29+s16], $0x1, s20, s16, $0xb8;
	[tilespmem:$0x18000] =	vst v63  }
0xd5: {  	s31 =	simm.s32 $0x8380;
	s17 =	simm.s32 $0x8200;
	s20 =	simm.s32 $0x200  }
0xd6: {  	[tilespmem:s17], [sflag:$0x2] =	stream.indirect.gather [hbm4b:s29+s16], $0x1, s20, s16, $0xb8;
	[tilespmem:$0x18000] =	vst v63  }
.Ltmp9:
0xd7: {  	p0 =	por $0x1, $0x1;
	s30 =	simm.s32 $0x400;
	(pc) =	sbr.rel @p1 .LBB2_8-.Ltmp9, $4  }
0xd8: {  	s0 =	simm.s32 $0x2000;
	s17 =	simm.s32 $0x8280;
	s20 =	simm.s32 $0x280  }
0xd9: {  	[tilespmem:s17], [sflag:$0x2] =	stream.indirect.gather [hbm4b:s29+s16], $0x1, s20, s16, $0xb8;
	[tilespmem:$0x18000] =	vst v63  }
0xda: {  	s1 =	simm.s32 $0x380;
	s17 =	simm.s32 $0x8300;
	s20 =	simm.s32 $0x300  }
0xdb: {  	[tilespmem:s17], [sflag:$0x2] =	stream.indirect.gather [hbm4b:s29+s16], $0x1, s20, s16, $0xb8;
	[tilespmem:$0x18000] =	vst v63  }
.LBB2_9:
0xdc: {  	[tilespmem:s31], [sflag:$0x2] =	stream.indirect.gather [hbm4b:s29+s16], $0x1, s1, s16, $0xb8;
	[tilespmem:$0x18000] =	vst v63  }
0xdd: {  	s1 =	smov.u32 s0  }
0xde: {  	s20 =	sadd.s32 $0x1000, s0;
	s17 =	sshra.s32 s1, $0x2;
	s1 =	sadd.s32 $0x8000, s30  }
0xdf: {  	[tilespmem:s1], [sflag:$0x2] =	stream.indirect.gather [hbm4b:s29+s16], $0x1, s30, s16, $0xb8;
	[tilespmem:$0x18000] =	vst v63  }
0xe0: {  	p1 =	seq.s32 s0, $0xF000;
	s0 =	sadd.s32 $0x8080, s30;
	s1 =	sadd.s32 $0x80, s30  }
0xe1: {  	[tilespmem:s0], [sflag:$0x2] =	stream.indirect.gather [hbm4b:s29+s16], $0x1, s1, s16, $0xb8;
	[tilespmem:$0x18000] =	vst v63  }
0xe2: {  	s0 =	sadd.s32 $0x8100, s30;
	s1 =	sadd.s32 $0x100, s30  }
0xe3: {  	[tilespmem:s0], [sflag:$0x2] =	stream.indirect.gather [hbm4b:s29+s16], $0x1, s1, s16, $0xb8;
	[tilespmem:$0x18000] =	vst v63  }
0xe4: {  	s0 =	sadd.s32 $0x8180, s30;
	s1 =	sadd.s32 $0x180, s30  }
0xe5: {  	[tilespmem:s0], [sflag:$0x2] =	stream.indirect.gather [hbm4b:s29+s16], $0x1, s1, s16, $0xb8;
	[tilespmem:$0x18000] =	vst v63  }
0xe6: {  	s0 =	sadd.s32 $0x8200, s30;
	s1 =	sadd.s32 $0x200, s30  }
0xe7: {  	[tilespmem:s0], [sflag:$0x2] =	stream.indirect.gather [hbm4b:s29+s16], $0x1, s1, s16, $0xb8;
	[tilespmem:$0x18000] =	vst v63  }
.Ltmp10:
0xe8: {  	s0 =	sadd.s32 $0x8280, s30;
	s1 =	sadd.s32 $0x280, s30;
	(pc) =	sbr.rel @!p1 .LBB2_9-.Ltmp10, $4  }
0xe9: {  	[tilespmem:s0], [sflag:$0x2] =	stream.indirect.gather [hbm4b:s29+s16], $0x1, s1, s16, $0xb8;
	[tilespmem:$0x18000] =	vst v63  }
0xea: {  	s31 =	sadd.s32 $0x8380, s30;
	s0 =	sadd.s32 $0x8300, s30;
	s1 =	sadd.s32 $0x300, s30  }
0xeb: {  	[tilespmem:s0], [sflag:$0x2] =	stream.indirect.gather [hbm4b:s29+s16], $0x1, s1, s16, $0xb8;
	[tilespmem:$0x18000] =	vst v63  }
0xec: {  	s1 =	sadd.s32 $0x380, s30;
	s30 =	smov.u32 s17;
	s0 =	smov.u32 s20  }
.Ltmp11:
0xed: {  	_ = 	snop;
	(pc) =	sbr.rel .LBB2_10-.Ltmp11, $1  }
0xee: {  	_ =	sdelay $0x3  }
.LBB2_8:
.Ltmp12:
0xef: {  	(pc) =	sbr.rel .LBB2_10-.Ltmp12, $2  }
0xf0: {  	_ =	sdelay $0x2  }
0xf1: {  	s30 =	simm.s32 $0x400  }
.LBB2_16:
0xf2: {  	_ =	sfence.sel $0x180000  }
0xf3: {  	[bflag:$0x0] =	sbarrier.arrive $0xFFFF  }
0xf4: {  	_ =	strace $0x90000047  }
0xf5: {  	s0 =	stileid.u32;
	[bflag:$0x2] =	sbarrier.arrive $0xFFFF  }
0xf6: {  	p0 =	sne.s32 s0, $0x0;
	s0 =	rddreg [dreg:$0x1]  }
0xf7: {  	s0 =	sadd.s32 @!p0 $0x100000, s0  }
0xf8: {  	[sflag:s0] =	ssyncadd.tile.s32 @!p0 $0x1;
	_ =	shalt  }
.Lfunc_end2:
_tile_overlayer_lowered:
.L_overlay_start_2:
0xf9: {  	(tag) =	ssettag $0x2  }
0xfa: {  	s0 =	rddreg [dreg:$0x0];
	s2 =	stileid.u32  }
0xfb: {  	s1 =	rddreg [dreg:$0x1];
	p0 =	sne.s32 s2, $0x0  }
0xfc: {  	s3 =	rddreg [dreg:$0x2];
	[bflag:$0x3] =	sbarrier.arrive $0xFFFF;
	s2 =	simm.s32 @!p0 $0x1C07  }
0xfd: {  	[timem:s3], [sflag:s2] =	dma.local @!p0 [hbm:s0], s1  }
0xfe: {  	s0 =	simm.s32 @!p0 $0x7  }
0xff: {  	_ =	swait.ge @!p0 [sflag:s0], s1  }
0x100: {  	s1 =	ssub.s32 @!p0 $0x0, s1;
	[sflag:s0] =	ssyncset.done @!p0 $0x0  }
0x101: {  	[sflag:s0] =	ssyncadd.s32 @!p0 s1  }
0x102: {  	[bflag:$0x3] =	sbarrier.arrive $0xFFFF  }
0x103: {  	_ =	shalt  }

</sc_bundles>
